<compile_context>
chip_gen: v7x
topology: tpu7x:2x2x1
jax: 0.10.2.dev20260603
libtpu: 0.0.44.dev20260713+nightly
codegen_flags: <defaults>
</compile_context>

<pallas_src>
import jax
import jax.numpy as jnp
from jax import lax
from jax.experimental import pallas as pl
from jax.experimental.pallas import tpu as pltpu
from jax.experimental.pallas import tpu_sc as plsc

_NC = 2
_NS = 16
_K = 128
_G = 8
_DH = 64
_WS = 80


def _sc_edge_agg(x0, x1, srcp, dstp, acc_rows, chs):
    rows_pt = acc_rows // _NS
    n = x0.shape[0]
    nst = (n // (_NS * 8)) * 8
    rem = n - nst * _NS

    def body(x0_hbm, x1_hbm, src_hbm, dst_hbm, out_hbm, src_v, dst_v,
             rows_a, rows_b, zbuf, xsp, acc_sh, sem_a, sem_b):
        cid = lax.axis_index("c")
        sid = lax.axis_index("s")

        def stage(xh):
            pltpu.async_copy(xh.at[pl.ds(sid * nst, nst)],
                             xsp.at[pl.ds(sid * nst, nst)], sem_b)
            if rem:
                @pl.when(sid == _NS - 1)
                def _():
                    pltpu.async_copy(xh.at[pl.ds(nst * _NS, rem)],
                                     xsp.at[pl.ds(nst * _NS, rem)], sem_b)

        @pl.when(cid == 0)
        def _():
            stage(x0_hbm)

        @pl.when(cid == 1)
        def _():
            stage(x1_hbm)

        def zrow(r, _):
            for j in range(_DH // 16):
                zbuf[r, pl.ds(j * 16, 16)] = jnp.zeros((16,), jnp.float32)
            return ()
        lax.fori_loop(0, rows_pt // 4, zrow, ())
        for rep in range(4):
            pltpu.sync_copy(
                zbuf,
                acc_sh.at[pl.ds(sid * rows_pt + rep * (rows_pt // 4),
                                rows_pt // 4)])

        pltpu.make_async_copy(x0_hbm.at[pl.ds(sid * nst, nst)],
                              xsp.at[pl.ds(sid * nst, nst)], sem_b).wait()
        if rem:
            @pl.when(sid == _NS - 1)
            def _():
                pltpu.make_async_copy(x0_hbm.at[pl.ds(nst * _NS, rem)],
                                      xsp.at[pl.ds(nst * _NS, rem)],
                                      sem_b).wait()

        plsc.subcore_barrier()

        def win(w, _):
            b = pl.multiple_of(sid * chs + w * _WS, 8)
            pltpu.sync_copy(src_hbm.at[pl.ds(b, _WS)], src_v)
            pltpu.sync_copy(dst_hbm.at[pl.ds(b, _WS)], dst_v)
            pltpu.async_copy(xsp.at[src_v.at[0]], rows_a, sem_a)

            def pair(p, _):
                c0 = 2 * p
                gb = pltpu.async_copy(xsp.at[src_v.at[c0 + 1]], rows_b,
                                      sem_b)
                pltpu.make_async_copy(xsp.at[src_v.at[c0]], rows_a,
                                      sem_a).wait()
                pltpu.sync_copy(rows_a, acc_sh.at[dst_v.at[c0]], add=True)

                @pl.when(c0 + 2 < _WS)
                def _():
                    pltpu.async_copy(xsp.at[src_v.at[c0 + 2]], rows_a,
                                     sem_a)

                gb.wait()
                pltpu.sync_copy(rows_b, acc_sh.at[dst_v.at[c0 + 1]], add=True)
                return ()
            lax.fori_loop(0, _WS // 2, pair, ())
            return ()
        lax.fori_loop(0, chs // _WS, win, ())

        plsc.subcore_barrier()
        pltpu.sync_copy(acc_sh.at[pl.ds(sid * rows_pt, rows_pt)],
                        out_hbm.at[cid, pl.ds(sid * rows_pt, rows_pt)])

    return pl.kernel(
        body,
        out_type=jax.ShapeDtypeStruct((_NC, acc_rows, _DH), jnp.float32),
        mesh=plsc.VectorSubcoreMesh(core_axis_name="c", subcore_axis_name="s",
                                    num_cores=_NC, num_subcores=_NS),
        compiler_params=pltpu.CompilerParams(use_tc_tiling_on_sc=False),
        scratch_types=[
            pltpu.VMEM((_WS, _K), jnp.int32),
            pltpu.VMEM((_WS, _K), jnp.int32),
            pltpu.VMEM((_K, _DH), jnp.float32),
            pltpu.VMEM((_K, _DH), jnp.float32),
            pltpu.VMEM((rows_pt // 4, _DH), jnp.float32),
            pltpu.VMEM_SHARED((n, _DH), jnp.float32),
            pltpu.VMEM_SHARED((acc_rows, _DH), jnp.float32),
            pltpu.SemaphoreType.DMA,
            pltpu.SemaphoreType.DMA,
        ],
    )(x0, x1, srcp, dstp)


def _dot(a, b):
    return lax.dot_general(a, b, (((1,), (0,)), ((), ())),
                           preferred_element_type=jnp.float32)


def _l1_body(x_ref, a0_ref, a1_ref, w_ref, b_ref, sc_ref, sh_ref, e_ref,
             o0_ref, o1_ref):
    agg = jnp.concatenate([a0_ref[0], a1_ref[0]], axis=1)
    h = x_ref[...] * e_ref[0, 0] + agg
    y = jnp.maximum(_dot(h, w_ref[...]) + b_ref[...], 0.0)
    y = jnp.maximum(y * sc_ref[...] + sh_ref[...], 0.0)
    o0_ref[...] = y[:, :_DH]
    o1_ref[...] = y[:, _DH:]


def _l2_body(x0_ref, x1_ref, a0_ref, a1_ref, w_ref, b_ref, sc_ref, sh_ref,
             e_ref, i_ref, wd1_ref, bd1_ref, wd2_ref, bd2_ref, wo_ref,
             bo_ref, o_ref, pool_ref):
    k = pl.program_id(0)
    nb = pl.num_programs(0)

    @pl.when(k == 0)
    def _init():
        pool_ref[...] = jnp.full((_G, 128), -jnp.inf, jnp.float32)

    x = jnp.concatenate([x0_ref[...], x1_ref[...]], axis=1)
    agg = jnp.concatenate([a0_ref[0], a1_ref[0]], axis=1)
    h = x * e_ref[0, 0] + agg
    y = jnp.maximum(_dot(h, w_ref[...]) + b_ref[...], 0.0)
    y = jnp.maximum(y * sc_ref[...] + sh_ref[...], 0.0)

    ib = i_ref[...]
    neg = jnp.float32(-jnp.inf)
    parts = [jnp.max(jnp.where(ib == g, y, neg), axis=0, keepdims=True)
             for g in range(_G)]
    pool_ref[...] = jnp.maximum(pool_ref[...], jnp.concatenate(parts, axis=0))

    @pl.when(k == nb - 1)
    def _head():
        p = pool_ref[...]
        d1 = jnp.maximum(_dot(p, wd1_ref[...]) + bd1_ref[...], 0.0)
        d2 = jnp.maximum(_dot(d1, wd2_ref[...]) + bd2_ref[...], 0.0)
        lg = _dot(d2, wo_ref[...]) + bo_ref[...]
        m = jnp.max(lg, axis=1, keepdims=True)
        ex = jnp.exp(lg - m)
        o_ref[...] = ex / jnp.sum(ex, axis=1, keepdims=True)


def kernel(x, edge_index, i, eps1, W1, b1, gamma1, beta1, mean1, var1,
           eps2, W2, b2, gamma2, beta2, mean2, var2,
           Wd1, bd1, Wd2, bd2, Wo, bo):
    N, D = x.shape
    E = edge_index.shape[1]
    C = Wo.shape[1]
    blk = 2000
    nb = N // blk
    acc_rows = ((N + 1 + 127) // 128) * 128
    chs = ((-(-E // (_NS * _K)) + _WS - 1) // _WS) * _WS
    cht = _NS * chs
    epad = cht * _K - E

    src = edge_index[0]
    dst = edge_index[1]
    if epad:
        src = jnp.concatenate([src, jnp.zeros((epad,), jnp.int32)])
        dst = jnp.concatenate([dst, jnp.full((epad,), N, jnp.int32)])
    srcp = src.reshape(cht, _K)
    dstp = dst.reshape(cht, _K)

    s1 = (gamma1 * lax.rsqrt(var1 + 1e-3)).reshape(1, D)
    t1 = beta1.reshape(1, D) - mean1.reshape(1, D) * s1
    s2 = (gamma2 * lax.rsqrt(var2 + 1e-3)).reshape(1, D)
    t2 = beta2.reshape(1, D) - mean2.reshape(1, D) * s2
    e1 = (1.0 + eps1).reshape(1, 1)
    e2 = (1.0 + eps2).reshape(1, 1)
    ib = jnp.broadcast_to(i[:, None], (N, 128))

    bd1p = bd1.reshape(1, 128)
    wd2p = jnp.pad(Wd2, ((0, 0), (0, 128 - Wd2.shape[1])))
    bd2p = jnp.pad(bd2, (0, 128 - bd2.shape[0])).reshape(1, 128)
    wop = jnp.pad(Wo, ((0, 128 - Wo.shape[0]), (0, 128 - C)))
    bop = jnp.pad(bo, (0, 128 - C), constant_values=-1e30).reshape(1, 128)

    x0 = x[:, :_DH]
    x1 = x[:, _DH:]

    row_spec = pl.BlockSpec((blk, 128), lambda k: (k, 0))
    half_spec = pl.BlockSpec((blk, _DH), lambda k: (k, 0))
    agg_spec0 = pl.BlockSpec((1, blk, _DH), lambda k: (0, k, 0))
    agg_spec1 = pl.BlockSpec((1, blk, _DH), lambda k: (1, k, 0))
    full_w = pl.BlockSpec((128, 128), lambda k: (0, 0))
    full_v = pl.BlockSpec((1, 128), lambda k: (0, 0))
    smem_s = pl.BlockSpec(memory_space=pltpu.SMEM)

    agg1 = _sc_edge_agg(x0, x1, srcp, dstp, acc_rows, chs)
    h1a, h1b = pl.pallas_call(
        _l1_body,
        grid=(nb,),
        in_specs=[row_spec, agg_spec0, agg_spec1, full_w, full_v, full_v,
                  full_v, smem_s],
        out_specs=[half_spec, half_spec],
        out_shape=[jax.ShapeDtypeStruct((N, _DH), jnp.float32),
                   jax.ShapeDtypeStruct((N, _DH), jnp.float32)],
    )(x, agg1, agg1, W1, b1.reshape(1, D), s1, t1, e1)

    agg2 = _sc_edge_agg(h1a, h1b, srcp, dstp, acc_rows, chs)
    out = pl.pallas_call(
        _l2_body,
        grid=(nb,),
        in_specs=[half_spec, half_spec, agg_spec0, agg_spec1, full_w,
                  full_v, full_v, full_v, smem_s, row_spec, full_w, full_v,
                  full_w, full_v, full_w, full_v],
        out_specs=pl.BlockSpec((_G, 128), lambda k: (0, 0)),
        out_shape=jax.ShapeDtypeStruct((_G, 128), jnp.float32),
        scratch_shapes=[pltpu.VMEM((_G, 128), jnp.float32)],
        compiler_params=pltpu.CompilerParams(
            dimension_semantics=("arbitrary",)),
    )(h1a, h1b, agg2, agg2, W2, b2.reshape(1, D), s2, t2, e2, ib,
      Wd1, bd1p, wd2p, bd2p, wop, bop)

    return out[:, :C]

# --- scband reference (transcript-rebuilt; emitter-appended) ---
"""Pipeline reference for scband-ginmulti-class-48086453846346 (READ-ONLY COPY).

The authoritative reference and input builder live on the scoring server;
editing this copy changes nothing except your own understanding.
"""

import jax, jax.numpy as jnp
import numpy as np

N = 10000
E = 320000
D = 128
H = 128
DU1 = 128
DU2 = 64
C = 10
G = 8
BN_EPS = 1e-3


def setup_inputs(seed: int = 0) -> dict:
    key = jax.random.key(seed)
    ks = jax.random.split(key, 12)
    x = jax.random.normal(ks[0], (N, D), dtype=jnp.float32)
    edge_index = jax.random.randint(ks[1], (2, E), 0, N, dtype=jnp.int32)
    i = jnp.sort(jax.random.randint(ks[2], (N,), 0, G, dtype=jnp.int32))
    eps1 = jnp.zeros((), jnp.float32)
    W1 = jax.random.normal(ks[3], (D, H), dtype=jnp.float32) * 0.05
    b1 = jnp.zeros((H,), jnp.float32)
    gamma1 = jnp.ones((H,), jnp.float32)
    beta1 = jnp.zeros((H,), jnp.float32)
    mean1 = jnp.zeros((H,), jnp.float32)
    var1 = jnp.ones((H,), jnp.float32)
    eps2 = jnp.zeros((), jnp.float32)
    W2 = jax.random.normal(ks[4], (H, H), dtype=jnp.float32) * 0.05
    b2 = jnp.zeros((H,), jnp.float32)
    gamma2 = jnp.ones((H,), jnp.float32)
    beta2 = jnp.zeros((H,), jnp.float32)
    mean2 = jnp.zeros((H,), jnp.float32)
    var2 = jnp.ones((H,), jnp.float32)
    Wd1 = jax.random.normal(ks[5], (H, DU1), dtype=jnp.float32) * 0.05
    bd1 = jnp.zeros((DU1,), jnp.float32)
    Wd2 = jax.random.normal(ks[6], (DU1, DU2), dtype=jnp.float32) * 0.05
    bd2 = jnp.zeros((DU2,), jnp.float32)
    Wo = jax.random.normal(ks[7], (DU2, C), dtype=jnp.float32) * 0.05
    bo = jnp.zeros((C,), jnp.float32)
    return dict(x=x, edge_index=edge_index, i=i, eps1=eps1, W1=W1, b1=b1,
                gamma1=gamma1, beta1=beta1, mean1=mean1, var1=var1,
                eps2=eps2, W2=W2, b2=b2, gamma2=gamma2, beta2=beta2,
                mean2=mean2, var2=var2, Wd1=Wd1, bd1=bd1, Wd2=Wd2, bd2=bd2,
                Wo=Wo, bo=bo)


def _gin_block(x, edge_index, eps, W, b, gamma, beta, mean, var):
    # GINConv: h = MLP((1+eps)*x + sum_{j in N(i)} x_j), MLP = Dense(relu)
    src = edge_index[0]
    dst = edge_index[1]
    agg = jnp.zeros_like(x).at[dst].add(x[src])
    h = (1.0 + eps) * x + agg
    h = jax.nn.relu(jnp.dot(h, W) + b)
    # BatchNormalization (inference: moving stats) followed by relu; dropout is identity
    h = (h - mean) / jnp.sqrt(var + BN_EPS) * gamma + beta
    return jax.nn.relu(h)


def reference(x, edge_index, i, eps1, W1, b1, gamma1, beta1, mean1, var1,
              eps2, W2, b2, gamma2, beta2, mean2, var2,
              Wd1, bd1, Wd2, bd2, Wo, bo):
    h = _gin_block(x, edge_index, eps1, W1, b1, gamma1, beta1, mean1, var1)
    h = _gin_block(h, edge_index, eps2, W2, b2, gamma2, beta2, mean2, var2)
    pooled = jax.ops.segment_max(h, i, num_segments=G)  # GlobalMaxPool per graph
    d1 = jax.nn.relu(jnp.dot(pooled, Wd1) + bd1)
    d2 = jax.nn.relu(jnp.dot(d1, Wd2) + bd2)
    logits = jnp.dot(d2, Wo) + bo
    return jax.nn.softmax(logits, axis=-1)

if __name__ == "__main__":
    import jax
    _d = setup_inputs()
    print(jax.jit(kernel)(*tuple(_d.values())))

</pallas_src>

<mosaic_0001>
#map = affine_map<(d0, d1) -> (0, 0)>
#map1 = affine_map<(d0, d1) -> (0, 0, 0)>
module attributes {stable_mosaic.version = 14 : i64} {
  func.func @body(%arg0: i32, %arg1: i32, %arg2: memref<10000x64xf32, #tpu.memory_space<hbm>>, %arg3: memref<10000x64xf32, #tpu.memory_space<hbm>>, %arg4: memref<2560x128xi32, #tpu.memory_space<hbm>>, %arg5: memref<2560x128xi32, #tpu.memory_space<hbm>>, %arg6: memref<2x10112x64xf32, #tpu.memory_space<hbm>>, %arg7: memref<80x128xi32, #tpu.memory_space<vmem>>, %arg8: memref<80x128xi32, #tpu.memory_space<vmem>>, %arg9: memref<128x64xf32, #tpu.memory_space<vmem>>, %arg10: memref<128x64xf32, #tpu.memory_space<vmem>>, %arg11: memref<158x64xf32, #tpu.memory_space<vmem>>, %arg12: memref<10000x64xf32, #tpu.memory_space<vmem_shared>>, %arg13: memref<10112x64xf32, #tpu.memory_space<vmem_shared>>, %arg14: memref<!tpu.dma_semaphore, #tpu.memory_space<semaphore_mem>>, %arg15: memref<!tpu.dma_semaphore, #tpu.memory_space<semaphore_mem>>) attributes {dimension_semantics = [#tpu.dimension_semantics<core_parallel>, #tpu.dimension_semantics<subcore_parallel>], iteration_bounds = array<i64: 2, 16>, scalar_prefetch = 0 : i64, scratch_operands = 9 : i64, tpu.core_type = #tpu.core_type<sc_vector_subcore>, window_params = [{transform_indices = #map}, {transform_indices = #map}, {transform_indices = #map}, {transform_indices = #map}, {transform_indices = #map1}]} {
    %eq3A = arith.constant 0 : i32
    %eq3A_0 = arith.cmpi eq, %arg0, %eq3A : i32
    %convert_element_type3A = arith.extui %eq3A_0 : i1 to i32
    %cond3A = arith.constant 0 : i32
    %cond3A_1 = arith.cmpi ne, %convert_element_type3A, %cond3A : i32
    scf.if %cond3A_1 {
      %mul3A_47 = arith.constant 624 : i32
      %mul3A_48 = arith.muli %arg1, %mul3A_47 : i32
      %mul3A_49 = arith.constant 624 : i32
      %mul3A_50 = arith.muli %arg1, %mul3A_49 : i32
      %dma_start3A = arith.constant 0 : i32
      %dma_start3A_51 = tpu.memref_slice %arg12[%mul3A_50, %dma_start3A] : memref<10000x64xf32, #tpu.memory_space<vmem_shared>> -> memref<624x64xf32, #tpu.memory_space<vmem_shared>>
      %dma_start3A_52 = arith.constant 0 : i32
      %dma_start3A_53 = tpu.memref_slice %arg2[%mul3A_48, %dma_start3A_52] : memref<10000x64xf32, #tpu.memory_space<hbm>> -> memref<624x64xf32, #tpu.memory_space<hbm>>
      tpu.enqueue_dma source(%dma_start3A_53 : memref<624x64xf32, #tpu.memory_space<hbm>>) target(%dma_start3A_51 : memref<624x64xf32, #tpu.memory_space<vmem_shared>>) target_semaphore(%arg15 : memref<!tpu.dma_semaphore, #tpu.memory_space<semaphore_mem>>)
      %eq3A_54 = arith.constant 15 : i32
      %eq3A_55 = arith.cmpi eq, %arg1, %eq3A_54 : i32
      %convert_element_type3A_56 = arith.extui %eq3A_55 : i1 to i32
      %cond3A_57 = arith.constant 0 : i32
      %cond3A_58 = arith.cmpi ne, %convert_element_type3A_56, %cond3A_57 : i32
      scf.if %cond3A_58 {
        %dma_start3A_59 = arith.constant 9984 : i32
        %dma_start3A_60 = arith.constant 0 : i32
        %dma_start3A_61 = tpu.memref_slice %arg12[%dma_start3A_59, %dma_start3A_60] : memref<10000x64xf32, #tpu.memory_space<vmem_shared>> -> memref<16x64xf32, #tpu.memory_space<vmem_shared>>
        %dma_start3A_62 = arith.constant 9984 : i32
        %dma_start3A_63 = arith.constant 0 : i32
        %dma_start3A_64 = tpu.memref_slice %arg2[%dma_start3A_62, %dma_start3A_63] : memref<10000x64xf32, #tpu.memory_space<hbm>> -> memref<16x64xf32, #tpu.memory_space<hbm>>
        tpu.enqueue_dma source(%dma_start3A_64 : memref<16x64xf32, #tpu.memory_space<hbm>>) target(%dma_start3A_61 : memref<16x64xf32, #tpu.memory_space<vmem_shared>>) target_semaphore(%arg15 : memref<!tpu.dma_semaphore, #tpu.memory_space<semaphore_mem>>)
      } else {
      }
    } else {
    }
    %eq3A_2 = arith.constant 1 : i32
    %eq3A_3 = arith.cmpi eq, %arg0, %eq3A_2 : i32
    %convert_element_type3A_4 = arith.extui %eq3A_3 : i1 to i32
    %cond3A_5 = arith.constant 0 : i32
    %cond3A_6 = arith.cmpi ne, %convert_element_type3A_4, %cond3A_5 : i32
    scf.if %cond3A_6 {
      %mul3A_47 = arith.constant 624 : i32
      %mul3A_48 = arith.muli %arg1, %mul3A_47 : i32
      %mul3A_49 = arith.constant 624 : i32
      %mul3A_50 = arith.muli %arg1, %mul3A_49 : i32
      %dma_start3A = arith.constant 0 : i32
      %dma_start3A_51 = tpu.memref_slice %arg12[%mul3A_50, %dma_start3A] : memref<10000x64xf32, #tpu.memory_space<vmem_shared>> -> memref<624x64xf32, #tpu.memory_space<vmem_shared>>
      %dma_start3A_52 = arith.constant 0 : i32
      %dma_start3A_53 = tpu.memref_slice %arg3[%mul3A_48, %dma_start3A_52] : memref<10000x64xf32, #tpu.memory_space<hbm>> -> memref<624x64xf32, #tpu.memory_space<hbm>>
      tpu.enqueue_dma source(%dma_start3A_53 : memref<624x64xf32, #tpu.memory_space<hbm>>) target(%dma_start3A_51 : memref<624x64xf32, #tpu.memory_space<vmem_shared>>) target_semaphore(%arg15 : memref<!tpu.dma_semaphore, #tpu.memory_space<semaphore_mem>>)
      %eq3A_54 = arith.constant 15 : i32
      %eq3A_55 = arith.cmpi eq, %arg1, %eq3A_54 : i32
      %convert_element_type3A_56 = arith.extui %eq3A_55 : i1 to i32
      %cond3A_57 = arith.constant 0 : i32
      %cond3A_58 = arith.cmpi ne, %convert_element_type3A_56, %cond3A_57 : i32
      scf.if %cond3A_58 {
        %dma_start3A_59 = arith.constant 9984 : i32
        %dma_start3A_60 = arith.constant 0 : i32
        %dma_start3A_61 = tpu.memref_slice %arg12[%dma_start3A_59, %dma_start3A_60] : memref<10000x64xf32, #tpu.memory_space<vmem_shared>> -> memref<16x64xf32, #tpu.memory_space<vmem_shared>>
        %dma_start3A_62 = arith.constant 9984 : i32
        %dma_start3A_63 = arith.constant 0 : i32
        %dma_start3A_64 = tpu.memref_slice %arg3[%dma_start3A_62, %dma_start3A_63] : memref<10000x64xf32, #tpu.memory_space<hbm>> -> memref<16x64xf32, #tpu.memory_space<hbm>>
        tpu.enqueue_dma source(%dma_start3A_64 : memref<16x64xf32, #tpu.memory_space<hbm>>) target(%dma_start3A_61 : memref<16x64xf32, #tpu.memory_space<vmem_shared>>) target_semaphore(%arg15 : memref<!tpu.dma_semaphore, #tpu.memory_space<semaphore_mem>>)
      } else {
      }
    } else {
    }
    %scan3A = arith.constant 0 : i32
    %scan3A_7 = arith.constant 158 : i32
    %scan3A_8 = arith.addi %scan3A, %scan3A_7 : i32
    %scan3A_9 = arith.constant 1 : i32
    scf.for %scan3A_47 = %scan3A to %scan3A_8 step %scan3A_9  : i32 {
      %broadcast_in_dim3A = arith.constant 0.000000e+00 : f32
      %broadcast_in_dim3A_48 = vector.broadcast %broadcast_in_dim3A : f32 to vector<16xf32>
      %swap3A = arith.index_cast %scan3A_47 : i32 to index
      %swap3A_49 = arith.constant 0 : index
      %swap3A_50 = tpu.vector_load %arg11[%swap3A, %swap3A_49] {strides = array<i32>} : memref<158x64xf32, #tpu.memory_space<vmem>>, vector<1x16xf32>,
      %swap3A_51 = vector.shape_cast %swap3A_50 : vector<1x16xf32> to vector<16xf32>
      %swap3A_52 = vector.shape_cast %broadcast_in_dim3A_48 : vector<16xf32> to vector<1x16xf32>
      tpu.vector_store %arg11[%swap3A, %swap3A_49], %swap3A_52 {strides = array<i32>} : memref<158x64xf32, #tpu.memory_space<vmem>>, vector<1x16xf32>,
      %broadcast_in_dim3A_53 = arith.constant 0.000000e+00 : f32
      %broadcast_in_dim3A_54 = vector.broadcast %broadcast_in_dim3A_53 : f32 to vector<16xf32>
      %swap3A_55 = arith.index_cast %scan3A_47 : i32 to index
      %swap3A_56 = arith.constant 16 : index
      %swap3A_57 = tpu.vector_load %arg11[%swap3A_55, %swap3A_56] {strides = array<i32>} : memref<158x64xf32, #tpu.memory_space<vmem>>, vector<1x16xf32>,
      %swap3A_58 = vector.shape_cast %swap3A_57 : vector<1x16xf32> to vector<16xf32>
      %swap3A_59 = vector.shape_cast %broadcast_in_dim3A_54 : vector<16xf32> to vector<1x16xf32>
      tpu.vector_store %arg11[%swap3A_55, %swap3A_56], %swap3A_59 {strides = array<i32>} : memref<158x64xf32, #tpu.memory_space<vmem>>, vector<1x16xf32>,
      %broadcast_in_dim3A_60 = arith.constant 0.000000e+00 : f32
      %broadcast_in_dim3A_61 = vector.broadcast %broadcast_in_dim3A_60 : f32 to vector<16xf32>
      %swap3A_62 = arith.index_cast %scan3A_47 : i32 to index
      %swap3A_63 = arith.constant 32 : index
      %swap3A_64 = tpu.vector_load %arg11[%swap3A_62, %swap3A_63] {strides = array<i32>} : memref<158x64xf32, #tpu.memory_space<vmem>>, vector<1x16xf32>,
      %swap3A_65 = vector.shape_cast %swap3A_64 : vector<1x16xf32> to vector<16xf32>
      %swap3A_66 = vector.shape_cast %broadcast_in_dim3A_61 : vector<16xf32> to vector<1x16xf32>
      tpu.vector_store %arg11[%swap3A_62, %swap3A_63], %swap3A_66 {strides = array<i32>} : memref<158x64xf32, #tpu.memory_space<vmem>>, vector<1x16xf32>,
      %broadcast_in_dim3A_67 = arith.constant 0.000000e+00 : f32
      %broadcast_in_dim3A_68 = vector.broadcast %broadcast_in_dim3A_67 : f32 to vector<16xf32>
      %swap3A_69 = arith.index_cast %scan3A_47 : i32 to index
      %swap3A_70 = arith.constant 48 : index
      %swap3A_71 = tpu.vector_load %arg11[%swap3A_69, %swap3A_70] {strides = array<i32>} : memref<158x64xf32, #tpu.memory_space<vmem>>, vector<1x16xf32>,
      %swap3A_72 = vector.shape_cast %swap3A_71 : vector<1x16xf32> to vector<16xf32>
      %swap3A_73 = vector.shape_cast %broadcast_in_dim3A_68 : vector<16xf32> to vector<1x16xf32>
      tpu.vector_store %arg11[%swap3A_69, %swap3A_70], %swap3A_73 {strides = array<i32>} : memref<158x64xf32, #tpu.memory_space<vmem>>, vector<1x16xf32>,
    }
    %scan3A_10 = arith.constant 158 : i32
    %mul3A = arith.constant 632 : i32
    %mul3A_11 = arith.muli %arg1, %mul3A : i32
    %add3A = arith.constant 0 : i32
    %add3A_12 = arith.addi %mul3A_11, %add3A : i32
    "tpu.region"() ({
      %run_scoped3A = tpu.sem_alloc : memref<!tpu.dma_semaphore, #tpu.memory_space<semaphore_mem>>
      %dma_start3A = arith.constant 0 : i32
      %dma_start3A_47 = tpu.memref_slice %arg13[%add3A_12, %dma_start3A] : memref<10112x64xf32, #tpu.memory_space<vmem_shared>> -> memref<158x64xf32, #tpu.memory_space<vmem_shared>>
      %dma_start3A_48 = arith.constant 0 : i32
      %dma_start3A_49 = tpu.memref_slice %arg13[%add3A_12, %dma_start3A_48] : memref<10112x64xf32, #tpu.memory_space<vmem_shared>> -> memref<158x64xf32, #tpu.memory_space<vmem_shared>>
      tpu.enqueue_dma source(%arg11 : memref<158x64xf32, #tpu.memory_space<vmem>>) target(%dma_start3A_49 : memref<158x64xf32, #tpu.memory_space<vmem_shared>>) target_semaphore(%run_scoped3A : memref<!tpu.dma_semaphore, #tpu.memory_space<semaphore_mem>>)
      %dma_wait3A_50 = arith.constant 0 : i32
      %dma_wait3A_51 = tpu.memref_slice %arg13[%add3A_12, %dma_wait3A_50] : memref<10112x64xf32, #tpu.memory_space<vmem_shared>> -> memref<158x64xf32, #tpu.memory_space<vmem_shared>>
      %dma_wait3A_52 = arith.constant 0 : i32
      %dma_wait3A_53 = tpu.memref_slice %arg13[%add3A_12, %dma_wait3A_52] : memref<10112x64xf32, #tpu.memory_space<vmem_shared>> -> memref<158x64xf32, #tpu.memory_space<vmem_shared>>
      tpu.wait_dma2 semaphore(%run_scoped3A : memref<!tpu.dma_semaphore, #tpu.memory_space<semaphore_mem>>) src(%arg11 : memref<158x64xf32, #tpu.memory_space<vmem>>) dst(%dma_wait3A_53 : memref<158x64xf32, #tpu.memory_space<vmem_shared>>)
      tpu.yield
    }) : () -> ()
    %mul3A_13 = arith.constant 632 : i32
    %mul3A_14 = arith.muli %arg1, %mul3A_13 : i32
    %add3A_15 = arith.constant 158 : i32
    %add3A_16 = arith.addi %mul3A_14, %add3A_15 : i32
    "tpu.region"() ({
      %run_scoped3A = tpu.sem_alloc : memref<!tpu.dma_semaphore, #tpu.memory_space<semaphore_mem>>
      %dma_start3A = arith.constant 0 : i32
      %dma_start3A_47 = tpu.memref_slice %arg13[%add3A_16, %dma_start3A] : memref<10112x64xf32, #tpu.memory_space<vmem_shared>> -> memref<158x64xf32, #tpu.memory_space<vmem_shared>>
      %dma_start3A_48 = arith.constant 0 : i32
      %dma_start3A_49 = tpu.memref_slice %arg13[%add3A_16, %dma_start3A_48] : memref<10112x64xf32, #tpu.memory_space<vmem_shared>> -> memref<158x64xf32, #tpu.memory_space<vmem_shared>>
      tpu.enqueue_dma source(%arg11 : memref<158x64xf32, #tpu.memory_space<vmem>>) target(%dma_start3A_49 : memref<158x64xf32, #tpu.memory_space<vmem_shared>>) target_semaphore(%run_scoped3A : memref<!tpu.dma_semaphore, #tpu.memory_space<semaphore_mem>>)
      %dma_wait3A_50 = arith.constant 0 : i32
      %dma_wait3A_51 = tpu.memref_slice %arg13[%add3A_16, %dma_wait3A_50] : memref<10112x64xf32, #tpu.memory_space<vmem_shared>> -> memref<158x64xf32, #tpu.memory_space<vmem_shared>>
      %dma_wait3A_52 = arith.constant 0 : i32
      %dma_wait3A_53 = tpu.memref_slice %arg13[%add3A_16, %dma_wait3A_52] : memref<10112x64xf32, #tpu.memory_space<vmem_shared>> -> memref<158x64xf32, #tpu.memory_space<vmem_shared>>
      tpu.wait_dma2 semaphore(%run_scoped3A : memref<!tpu.dma_semaphore, #tpu.memory_space<semaphore_mem>>) src(%arg11 : memref<158x64xf32, #tpu.memory_space<vmem>>) dst(%dma_wait3A_53 : memref<158x64xf32, #tpu.memory_space<vmem_shared>>)
      tpu.yield
    }) : () -> ()
    %mul3A_17 = arith.constant 632 : i32
    %mul3A_18 = arith.muli %arg1, %mul3A_17 : i32
    %add3A_19 = arith.constant 316 : i32
    %add3A_20 = arith.addi %mul3A_18, %add3A_19 : i32
    "tpu.region"() ({
      %run_scoped3A = tpu.sem_alloc : memref<!tpu.dma_semaphore, #tpu.memory_space<semaphore_mem>>
      %dma_start3A = arith.constant 0 : i32
      %dma_start3A_47 = tpu.memref_slice %arg13[%add3A_20, %dma_start3A] : memref<10112x64xf32, #tpu.memory_space<vmem_shared>> -> memref<158x64xf32, #tpu.memory_space<vmem_shared>>
      %dma_start3A_48 = arith.constant 0 : i32
      %dma_start3A_49 = tpu.memref_slice %arg13[%add3A_20, %dma_start3A_48] : memref<10112x64xf32, #tpu.memory_space<vmem_shared>> -> memref<158x64xf32, #tpu.memory_space<vmem_shared>>
      tpu.enqueue_dma source(%arg11 : memref<158x64xf32, #tpu.memory_space<vmem>>) target(%dma_start3A_49 : memref<158x64xf32, #tpu.memory_space<vmem_shared>>) target_semaphore(%run_scoped3A : memref<!tpu.dma_semaphore, #tpu.memory_space<semaphore_mem>>)
      %dma_wait3A_50 = arith.constant 0 : i32
      %dma_wait3A_51 = tpu.memref_slice %arg13[%add3A_20, %dma_wait3A_50] : memref<10112x64xf32, #tpu.memory_space<vmem_shared>> -> memref<158x64xf32, #tpu.memory_space<vmem_shared>>
      %dma_wait3A_52 = arith.constant 0 : i32
      %dma_wait3A_53 = tpu.memref_slice %arg13[%add3A_20, %dma_wait3A_52] : memref<10112x64xf32, #tpu.memory_space<vmem_shared>> -> memref<158x64xf32, #tpu.memory_space<vmem_shared>>
      tpu.wait_dma2 semaphore(%run_scoped3A : memref<!tpu.dma_semaphore, #tpu.memory_space<semaphore_mem>>) src(%arg11 : memref<158x64xf32, #tpu.memory_space<vmem>>) dst(%dma_wait3A_53 : memref<158x64xf32, #tpu.memory_space<vmem_shared>>)
      tpu.yield
    }) : () -> ()
    %mul3A_21 = arith.constant 632 : i32
    %mul3A_22 = arith.muli %arg1, %mul3A_21 : i32
    %add3A_23 = arith.constant 474 : i32
    %add3A_24 = arith.addi %mul3A_22, %add3A_23 : i32
    "tpu.region"() ({
      %run_scoped3A = tpu.sem_alloc : memref<!tpu.dma_semaphore, #tpu.memory_space<semaphore_mem>>
      %dma_start3A = arith.constant 0 : i32
      %dma_start3A_47 = tpu.memref_slice %arg13[%add3A_24, %dma_start3A] : memref<10112x64xf32, #tpu.memory_space<vmem_shared>> -> memref<158x64xf32, #tpu.memory_space<vmem_shared>>
      %dma_start3A_48 = arith.constant 0 : i32
      %dma_start3A_49 = tpu.memref_slice %arg13[%add3A_24, %dma_start3A_48] : memref<10112x64xf32, #tpu.memory_space<vmem_shared>> -> memref<158x64xf32, #tpu.memory_space<vmem_shared>>
      tpu.enqueue_dma source(%arg11 : memref<158x64xf32, #tpu.memory_space<vmem>>) target(%dma_start3A_49 : memref<158x64xf32, #tpu.memory_space<vmem_shared>>) target_semaphore(%run_scoped3A : memref<!tpu.dma_semaphore, #tpu.memory_space<semaphore_mem>>)
      %dma_wait3A_50 = arith.constant 0 : i32
      %dma_wait3A_51 = tpu.memref_slice %arg13[%add3A_24, %dma_wait3A_50] : memref<10112x64xf32, #tpu.memory_space<vmem_shared>> -> memref<158x64xf32, #tpu.memory_space<vmem_shared>>
      %dma_wait3A_52 = arith.constant 0 : i32
      %dma_wait3A_53 = tpu.memref_slice %arg13[%add3A_24, %dma_wait3A_52] : memref<10112x64xf32, #tpu.memory_space<vmem_shared>> -> memref<158x64xf32, #tpu.memory_space<vmem_shared>>
      tpu.wait_dma2 semaphore(%run_scoped3A : memref<!tpu.dma_semaphore, #tpu.memory_space<semaphore_mem>>) src(%arg11 : memref<158x64xf32, #tpu.memory_space<vmem>>) dst(%dma_wait3A_53 : memref<158x64xf32, #tpu.memory_space<vmem_shared>>)
      tpu.yield
    }) : () -> ()
    %mul3A_25 = arith.constant 624 : i32
    %mul3A_26 = arith.muli %arg1, %mul3A_25 : i32
    %mul3A_27 = arith.constant 624 : i32
    %mul3A_28 = arith.muli %arg1, %mul3A_27 : i32
    %dma_wait3A = arith.constant 0 : i32
    %dma_wait3A_29 = tpu.memref_slice %arg12[%mul3A_28, %dma_wait3A] : memref<10000x64xf32, #tpu.memory_space<vmem_shared>> -> memref<624x64xf32, #tpu.memory_space<vmem_shared>>
    %dma_wait3A_30 = arith.constant 0 : i32
    %dma_wait3A_31 = tpu.memref_slice %arg2[%mul3A_26, %dma_wait3A_30] : memref<10000x64xf32, #tpu.memory_space<hbm>> -> memref<624x64xf32, #tpu.memory_space<hbm>>
    tpu.wait_dma2 semaphore(%arg15 : memref<!tpu.dma_semaphore, #tpu.memory_space<semaphore_mem>>) src(%dma_wait3A_31 : memref<624x64xf32, #tpu.memory_space<hbm>>) dst(%dma_wait3A_29 : memref<624x64xf32, #tpu.memory_space<vmem_shared>>)
    %eq3A_32 = arith.constant 15 : i32
    %eq3A_33 = arith.cmpi eq, %arg1, %eq3A_32 : i32
    %convert_element_type3A_34 = arith.extui %eq3A_33 : i1 to i32
    %cond3A_35 = arith.constant 0 : i32
    %cond3A_36 = arith.cmpi ne, %convert_element_type3A_34, %cond3A_35 : i32
    scf.if %cond3A_36 {
      %dma_wait3A_47 = arith.constant 9984 : i32
      %dma_wait3A_48 = arith.constant 0 : i32
      %dma_wait3A_49 = tpu.memref_slice %arg12[%dma_wait3A_47, %dma_wait3A_48] : memref<10000x64xf32, #tpu.memory_space<vmem_shared>> -> memref<16x64xf32, #tpu.memory_space<vmem_shared>>
      %dma_wait3A_50 = arith.constant 9984 : i32
      %dma_wait3A_51 = arith.constant 0 : i32
      %dma_wait3A_52 = tpu.memref_slice %arg2[%dma_wait3A_50, %dma_wait3A_51] : memref<10000x64xf32, #tpu.memory_space<hbm>> -> memref<16x64xf32, #tpu.memory_space<hbm>>
      tpu.wait_dma2 semaphore(%arg15 : memref<!tpu.dma_semaphore, #tpu.memory_space<semaphore_mem>>) src(%dma_wait3A_52 : memref<16x64xf32, #tpu.memory_space<hbm>>) dst(%dma_wait3A_49 : memref<16x64xf32, #tpu.memory_space<vmem_shared>>)
    } else {
    }
    %barrier3A = arith.constant 0 : index
    tpu.barrier barrier_id(%barrier3A)
    %scan3A_37 = arith.constant 0 : i32
    %scan3A_38 = arith.constant 2 : i32
    %scan3A_39 = arith.addi %scan3A_37, %scan3A_38 : i32
    %scan3A_40 = arith.constant 1 : i32
    scf.for %scan3A_47 = %scan3A_37 to %scan3A_39 step %scan3A_40  : i32 {
      %mul3A_48 = arith.constant 160 : i32
      %mul3A_49 = arith.muli %arg1, %mul3A_48 : i32
      %mul3A_50 = arith.constant 80 : i32
      %mul3A_51 = arith.muli %scan3A_47, %mul3A_50 : i32
      %add3A_52 = arith.addi %mul3A_49, %mul3A_51 : i32
      %multiple_of3A = tpu.assume_multiple %add3A_52, 8 : i32
      "tpu.region"() ({
        %run_scoped3A = tpu.sem_alloc : memref<!tpu.dma_semaphore, #tpu.memory_space<semaphore_mem>>
        %dma_start3A_64 = arith.constant 0 : i32
        %dma_start3A_65 = tpu.memref_slice %arg4[%multiple_of3A, %dma_start3A_64] : memref<2560x128xi32, #tpu.memory_space<hbm>> -> memref<80x128xi32, #tpu.memory_space<hbm>>
        %dma_start3A_66 = arith.constant 0 : i32
        %dma_start3A_67 = tpu.memref_slice %arg4[%multiple_of3A, %dma_start3A_66] : memref<2560x128xi32, #tpu.memory_space<hbm>> -> memref<80x128xi32, #tpu.memory_space<hbm>>
        tpu.enqueue_dma source(%dma_start3A_67 : memref<80x128xi32, #tpu.memory_space<hbm>>) target(%arg7 : memref<80x128xi32, #tpu.memory_space<vmem>>) target_semaphore(%run_scoped3A : memref<!tpu.dma_semaphore, #tpu.memory_space<semaphore_mem>>)
        %dma_wait3A_68 = arith.constant 0 : i32
        %dma_wait3A_69 = tpu.memref_slice %arg4[%multiple_of3A, %dma_wait3A_68] : memref<2560x128xi32, #tpu.memory_space<hbm>> -> memref<80x128xi32, #tpu.memory_space<hbm>>
        %dma_wait3A_70 = arith.constant 0 : i32
        %dma_wait3A_71 = tpu.memref_slice %arg4[%multiple_of3A, %dma_wait3A_70] : memref<2560x128xi32, #tpu.memory_space<hbm>> -> memref<80x128xi32, #tpu.memory_space<hbm>>
        tpu.wait_dma2 semaphore(%run_scoped3A : memref<!tpu.dma_semaphore, #tpu.memory_space<semaphore_mem>>) src(%dma_wait3A_71 : memref<80x128xi32, #tpu.memory_space<hbm>>) dst(%arg7 : memref<80x128xi32, #tpu.memory_space<vmem>>)
        tpu.yield
      }) : () -> ()
      "tpu.region"() ({
        %run_scoped3A = tpu.sem_alloc : memref<!tpu.dma_semaphore, #tpu.memory_space<semaphore_mem>>
        %dma_start3A_64 = arith.constant 0 : i32
        %dma_start3A_65 = tpu.memref_slice %arg5[%multiple_of3A, %dma_start3A_64] : memref<2560x128xi32, #tpu.memory_space<hbm>> -> memref<80x128xi32, #tpu.memory_space<hbm>>
        %dma_start3A_66 = arith.constant 0 : i32
        %dma_start3A_67 = tpu.memref_slice %arg5[%multiple_of3A, %dma_start3A_66] : memref<2560x128xi32, #tpu.memory_space<hbm>> -> memref<80x128xi32, #tpu.memory_space<hbm>>
        tpu.enqueue_dma source(%dma_start3A_67 : memref<80x128xi32, #tpu.memory_space<hbm>>) target(%arg8 : memref<80x128xi32, #tpu.memory_space<vmem>>) target_semaphore(%run_scoped3A : memref<!tpu.dma_semaphore, #tpu.memory_space<semaphore_mem>>)
        %dma_wait3A_68 = arith.constant 0 : i32
        %dma_wait3A_69 = tpu.memref_slice %arg5[%multiple_of3A, %dma_wait3A_68] : memref<2560x128xi32, #tpu.memory_space<hbm>> -> memref<80x128xi32, #tpu.memory_space<hbm>>
        %dma_wait3A_70 = arith.constant 0 : i32
        %dma_wait3A_71 = tpu.memref_slice %arg5[%multiple_of3A, %dma_wait3A_70] : memref<2560x128xi32, #tpu.memory_space<hbm>> -> memref<80x128xi32, #tpu.memory_space<hbm>>
        tpu.wait_dma2 semaphore(%run_scoped3A : memref<!tpu.dma_semaphore, #tpu.memory_space<semaphore_mem>>) src(%dma_wait3A_71 : memref<80x128xi32, #tpu.memory_space<hbm>>) dst(%arg8 : memref<80x128xi32, #tpu.memory_space<vmem>>)
        tpu.yield
      }) : () -> ()
      %dma_start3A = arith.constant 0 : i32
      %dma_start3A_53 = arith.constant 0 : i32
      %dma_start3A_54 = tpu.memref_slice %arg7[%dma_start3A, %dma_start3A_53] : memref<80x128xi32, #tpu.memory_space<vmem>> -> memref<1x128xi32, #tpu.memory_space<vmem>>
      %dma_start3A_55 = tpu.memref_squeeze %dma_start3A_54 : memref<1x128xi32, #tpu.memory_space<vmem>> -> memref<128xi32, #tpu.memory_space<vmem>>
      %dma_start3A_56 = arith.constant 0 : i32
      %dma_start3A_57 = arith.constant 0 : i32
      %dma_start3A_58 = tpu.memref_slice %arg12[%dma_start3A_56, %dma_start3A_57] : memref<10000x64xf32, #tpu.memory_space<vmem_shared>> -> memref<10000x64xf32, #tpu.memory_space<vmem_shared>>
      tpu.enqueue_indirect_dma source(%dma_start3A_58 : memref<10000x64xf32, #tpu.memory_space<vmem_shared>>) target(%arg9 : memref<128x64xf32, #tpu.memory_space<vmem>>) offsets(%dma_start3A_55 : memref<128xi32, #tpu.memory_space<vmem>>) semaphore(%arg14 : memref<!tpu.dma_semaphore, #tpu.memory_space<semaphore_mem>>)
      %scan3A_59 = arith.constant 0 : i32
      %scan3A_60 = arith.constant 40 : i32
      %scan3A_61 = arith.addi %scan3A_59, %scan3A_60 : i32
      %scan3A_62 = arith.constant 1 : i32
      scf.for %scan3A_64 = %scan3A_59 to %scan3A_61 step %scan3A_62  : i32 {
        %mul3A_65 = arith.constant 2 : i32
        %mul3A_66 = arith.muli %mul3A_65, %scan3A_64 : i32
        %add3A_67 = arith.constant 1 : i32
        %add3A_68 = arith.addi %mul3A_66, %add3A_67 : i32
        %dma_start3A_69 = arith.constant 0 : i32
        %dma_start3A_70 = tpu.memref_slice %arg7[%add3A_68, %dma_start3A_69] : memref<80x128xi32, #tpu.memory_space<vmem>> -> memref<1x128xi32, #tpu.memory_space<vmem>>
        %dma_start3A_71 = tpu.memref_squeeze %dma_start3A_70 : memref<1x128xi32, #tpu.memory_space<vmem>> -> memref<128xi32, #tpu.memory_space<vmem>>
        %dma_start3A_72 = arith.constant 0 : i32
        %dma_start3A_73 = arith.constant 0 : i32
        %dma_start3A_74 = tpu.memref_slice %arg12[%dma_start3A_72, %dma_start3A_73] : memref<10000x64xf32, #tpu.memory_space<vmem_shared>> -> memref<10000x64xf32, #tpu.memory_space<vmem_shared>>
        tpu.enqueue_indirect_dma source(%dma_start3A_74 : memref<10000x64xf32, #tpu.memory_space<vmem_shared>>) target(%arg10 : memref<128x64xf32, #tpu.memory_space<vmem>>) offsets(%dma_start3A_71 : memref<128xi32, #tpu.memory_space<vmem>>) semaphore(%arg15 : memref<!tpu.dma_semaphore, #tpu.memory_space<semaphore_mem>>)
        %dma_wait3A_75 = arith.constant 0 : i32
        %dma_wait3A_76 = tpu.memref_slice %arg7[%mul3A_66, %dma_wait3A_75] : memref<80x128xi32, #tpu.memory_space<vmem>> -> memref<1x128xi32, #tpu.memory_space<vmem>>
        %dma_wait3A_77 = tpu.memref_squeeze %dma_wait3A_76 : memref<1x128xi32, #tpu.memory_space<vmem>> -> memref<128xi32, #tpu.memory_space<vmem>>
        %dma_wait3A_78 = arith.constant 0 : i32
        %dma_wait3A_79 = arith.constant 0 : i32
        %dma_wait3A_80 = tpu.memref_slice %arg12[%dma_wait3A_78, %dma_wait3A_79] : memref<10000x64xf32, #tpu.memory_space<vmem_shared>> -> memref<10000x64xf32, #tpu.memory_space<vmem_shared>>
        tpu.wait_indirect_dma semaphore(%arg14 : memref<!tpu.dma_semaphore, #tpu.memory_space<semaphore_mem>>) src(%dma_wait3A_80 : memref<10000x64xf32, #tpu.memory_space<vmem_shared>>) dst(%arg9 : memref<128x64xf32, #tpu.memory_space<vmem>>)
        "tpu.region"() ({
          %run_scoped3A = tpu.sem_alloc : memref<!tpu.dma_semaphore, #tpu.memory_space<semaphore_mem>>
          %dma_start3A_95 = arith.constant 0 : i32
          %dma_start3A_96 = tpu.memref_slice %arg8[%mul3A_66, %dma_start3A_95] : memref<80x128xi32, #tpu.memory_space<vmem>> -> memref<1x128xi32, #tpu.memory_space<vmem>>
          %dma_start3A_97 = tpu.memref_squeeze %dma_start3A_96 : memref<1x128xi32, #tpu.memory_space<vmem>> -> memref<128xi32, #tpu.memory_space<vmem>>
          %dma_start3A_98 = arith.constant 0 : i32
          %dma_start3A_99 = arith.constant 0 : i32
          %dma_start3A_100 = tpu.memref_slice %arg13[%dma_start3A_98, %dma_start3A_99] : memref<10112x64xf32, #tpu.memory_space<vmem_shared>> -> memref<10112x64xf32, #tpu.memory_space<vmem_shared>>
          tpu.enqueue_indirect_dma source(%arg9 : memref<128x64xf32, #tpu.memory_space<vmem>>) target(%dma_start3A_100 : memref<10112x64xf32, #tpu.memory_space<vmem_shared>>) offsets(%dma_start3A_97 : memref<128xi32, #tpu.memory_space<vmem>>) semaphore(%run_scoped3A : memref<!tpu.dma_semaphore, #tpu.memory_space<semaphore_mem>>) {add = true}
          %dma_wait3A_101 = arith.constant 0 : i32
          %dma_wait3A_102 = tpu.memref_slice %arg8[%mul3A_66, %dma_wait3A_101] : memref<80x128xi32, #tpu.memory_space<vmem>> -> memref<1x128xi32, #tpu.memory_space<vmem>>
          %dma_wait3A_103 = tpu.memref_squeeze %dma_wait3A_102 : memref<1x128xi32, #tpu.memory_space<vmem>> -> memref<128xi32, #tpu.memory_space<vmem>>
          %dma_wait3A_104 = arith.constant 0 : i32
          %dma_wait3A_105 = arith.constant 0 : i32
          %dma_wait3A_106 = tpu.memref_slice %arg13[%dma_wait3A_104, %dma_wait3A_105] : memref<10112x64xf32, #tpu.memory_space<vmem_shared>> -> memref<10112x64xf32, #tpu.memory_space<vmem_shared>>
          tpu.wait_indirect_dma semaphore(%run_scoped3A : memref<!tpu.dma_semaphore, #tpu.memory_space<semaphore_mem>>) src(%arg9 : memref<128x64xf32, #tpu.memory_space<vmem>>) dst(%dma_wait3A_106 : memref<10112x64xf32, #tpu.memory_space<vmem_shared>>)
          tpu.yield
        }) : () -> ()
        %add3A_81 = arith.constant 2 : i32
        %add3A_82 = arith.addi %mul3A_66, %add3A_81 : i32
        %lt3A = arith.constant 80 : i32
        %lt3A_83 = arith.cmpi slt, %add3A_82, %lt3A : i32
        %convert_element_type3A_84 = arith.extui %lt3A_83 : i1 to i32
        %cond3A_85 = arith.constant 0 : i32
        %cond3A_86 = arith.cmpi ne, %convert_element_type3A_84, %cond3A_85 : i32
        scf.if %cond3A_86 {
          %add3A_95 = arith.constant 2 : i32
          %add3A_96 = arith.addi %mul3A_66, %add3A_95 : i32
          %dma_start3A_97 = arith.constant 0 : i32
          %dma_start3A_98 = tpu.memref_slice %arg7[%add3A_96, %dma_start3A_97] : memref<80x128xi32, #tpu.memory_space<vmem>> -> memref<1x128xi32, #tpu.memory_space<vmem>>
          %dma_start3A_99 = tpu.memref_squeeze %dma_start3A_98 : memref<1x128xi32, #tpu.memory_space<vmem>> -> memref<128xi32, #tpu.memory_space<vmem>>
          %dma_start3A_100 = arith.constant 0 : i32
          %dma_start3A_101 = arith.constant 0 : i32
          %dma_start3A_102 = tpu.memref_slice %arg12[%dma_start3A_100, %dma_start3A_101] : memref<10000x64xf32, #tpu.memory_space<vmem_shared>> -> memref<10000x64xf32, #tpu.memory_space<vmem_shared>>
          tpu.enqueue_indirect_dma source(%dma_start3A_102 : memref<10000x64xf32, #tpu.memory_space<vmem_shared>>) target(%arg9 : memref<128x64xf32, #tpu.memory_space<vmem>>) offsets(%dma_start3A_99 : memref<128xi32, #tpu.memory_space<vmem>>) semaphore(%arg14 : memref<!tpu.dma_semaphore, #tpu.memory_space<semaphore_mem>>)
        } else {
        }
        %dma_wait3A_87 = arith.constant 0 : i32
        %dma_wait3A_88 = tpu.memref_slice %arg7[%add3A_68, %dma_wait3A_87] : memref<80x128xi32, #tpu.memory_space<vmem>> -> memref<1x128xi32, #tpu.memory_space<vmem>>
        %dma_wait3A_89 = tpu.memref_squeeze %dma_wait3A_88 : memref<1x128xi32, #tpu.memory_space<vmem>> -> memref<128xi32, #tpu.memory_space<vmem>>
        %dma_wait3A_90 = arith.constant 0 : i32
        %dma_wait3A_91 = arith.constant 0 : i32
        %dma_wait3A_92 = tpu.memref_slice %arg12[%dma_wait3A_90, %dma_wait3A_91] : memref<10000x64xf32, #tpu.memory_space<vmem_shared>> -> memref<10000x64xf32, #tpu.memory_space<vmem_shared>>
        tpu.wait_indirect_dma semaphore(%arg15 : memref<!tpu.dma_semaphore, #tpu.memory_space<semaphore_mem>>) src(%dma_wait3A_92 : memref<10000x64xf32, #tpu.memory_space<vmem_shared>>) dst(%arg10 : memref<128x64xf32, #tpu.memory_space<vmem>>)
        %add3A_93 = arith.constant 1 : i32
        %add3A_94 = arith.addi %mul3A_66, %add3A_93 : i32
        "tpu.region"() ({
          %run_scoped3A = tpu.sem_alloc : memref<!tpu.dma_semaphore, #tpu.memory_space<semaphore_mem>>
          %dma_start3A_95 = arith.constant 0 : i32
          %dma_start3A_96 = tpu.memref_slice %arg8[%add3A_94, %dma_start3A_95] : memref<80x128xi32, #tpu.memory_space<vmem>> -> memref<1x128xi32, #tpu.memory_space<vmem>>
          %dma_start3A_97 = tpu.memref_squeeze %dma_start3A_96 : memref<1x128xi32, #tpu.memory_space<vmem>> -> memref<128xi32, #tpu.memory_space<vmem>>
          %dma_start3A_98 = arith.constant 0 : i32
          %dma_start3A_99 = arith.constant 0 : i32
          %dma_start3A_100 = tpu.memref_slice %arg13[%dma_start3A_98, %dma_start3A_99] : memref<10112x64xf32, #tpu.memory_space<vmem_shared>> -> memref<10112x64xf32, #tpu.memory_space<vmem_shared>>
          tpu.enqueue_indirect_dma source(%arg10 : memref<128x64xf32, #tpu.memory_space<vmem>>) target(%dma_start3A_100 : memref<10112x64xf32, #tpu.memory_space<vmem_shared>>) offsets(%dma_start3A_97 : memref<128xi32, #tpu.memory_space<vmem>>) semaphore(%run_scoped3A : memref<!tpu.dma_semaphore, #tpu.memory_space<semaphore_mem>>) {add = true}
          %dma_wait3A_101 = arith.constant 0 : i32
          %dma_wait3A_102 = tpu.memref_slice %arg8[%add3A_94, %dma_wait3A_101] : memref<80x128xi32, #tpu.memory_space<vmem>> -> memref<1x128xi32, #tpu.memory_space<vmem>>
          %dma_wait3A_103 = tpu.memref_squeeze %dma_wait3A_102 : memref<1x128xi32, #tpu.memory_space<vmem>> -> memref<128xi32, #tpu.memory_space<vmem>>
          %dma_wait3A_104 = arith.constant 0 : i32
          %dma_wait3A_105 = arith.constant 0 : i32
          %dma_wait3A_106 = tpu.memref_slice %arg13[%dma_wait3A_104, %dma_wait3A_105] : memref<10112x64xf32, #tpu.memory_space<vmem_shared>> -> memref<10112x64xf32, #tpu.memory_space<vmem_shared>>
          tpu.wait_indirect_dma semaphore(%run_scoped3A : memref<!tpu.dma_semaphore, #tpu.memory_space<semaphore_mem>>) src(%arg10 : memref<128x64xf32, #tpu.memory_space<vmem>>) dst(%dma_wait3A_106 : memref<10112x64xf32, #tpu.memory_space<vmem_shared>>)
          tpu.yield
        }) : () -> ()
      }
      %scan3A_63 = arith.constant 40 : i32
    }
    %scan3A_41 = arith.constant 2 : i32
    %barrier3A_42 = arith.constant 0 : index
    tpu.barrier barrier_id(%barrier3A_42)
    %mul3A_43 = arith.constant 632 : i32
    %mul3A_44 = arith.muli %arg1, %mul3A_43 : i32
    %mul3A_45 = arith.constant 632 : i32
    %mul3A_46 = arith.muli %arg1, %mul3A_45 : i32
    "tpu.region"() ({
      %run_scoped3A = tpu.sem_alloc : memref<!tpu.dma_semaphore, #tpu.memory_space<semaphore_mem>>
      %dma_start3A = arith.constant 0 : i32
      %dma_start3A_47 = tpu.memref_slice %arg6[%arg0, %mul3A_46, %dma_start3A] : memref<2x10112x64xf32, #tpu.memory_space<hbm>> -> memref<1x632x64xf32, #tpu.memory_space<hbm>>
      %dma_start3A_48 = tpu.memref_squeeze %dma_start3A_47 : memref<1x632x64xf32, #tpu.memory_space<hbm>> -> memref<632x64xf32, #tpu.memory_space<hbm>>
      %dma_start3A_49 = arith.constant 0 : i32
      %dma_start3A_50 = tpu.memref_slice %arg13[%mul3A_44, %dma_start3A_49] : memref<10112x64xf32, #tpu.memory_space<vmem_shared>> -> memref<632x64xf32, #tpu.memory_space<vmem_shared>>
      tpu.enqueue_dma source(%dma_start3A_50 : memref<632x64xf32, #tpu.memory_space<vmem_shared>>) target(%dma_start3A_48 : memref<632x64xf32, #tpu.memory_space<hbm>>) target_semaphore(%run_scoped3A : memref<!tpu.dma_semaphore, #tpu.memory_space<semaphore_mem>>)
      %dma_wait3A_51 = arith.constant 0 : i32
      %dma_wait3A_52 = tpu.memref_slice %arg6[%arg0, %mul3A_46, %dma_wait3A_51] : memref<2x10112x64xf32, #tpu.memory_space<hbm>> -> memref<1x632x64xf32, #tpu.memory_space<hbm>>
      %dma_wait3A_53 = tpu.memref_squeeze %dma_wait3A_52 : memref<1x632x64xf32, #tpu.memory_space<hbm>> -> memref<632x64xf32, #tpu.memory_space<hbm>>
      %dma_wait3A_54 = arith.constant 0 : i32
      %dma_wait3A_55 = tpu.memref_slice %arg13[%mul3A_44, %dma_wait3A_54] : memref<10112x64xf32, #tpu.memory_space<vmem_shared>> -> memref<632x64xf32, #tpu.memory_space<vmem_shared>>
      tpu.wait_dma2 semaphore(%run_scoped3A : memref<!tpu.dma_semaphore, #tpu.memory_space<semaphore_mem>>) src(%dma_wait3A_55 : memref<632x64xf32, #tpu.memory_space<vmem_shared>>) dst(%dma_wait3A_53 : memref<632x64xf32, #tpu.memory_space<hbm>>)
      tpu.yield
    }) : () -> ()
    return
  }
}

#map = affine_map<(d0, d1) -> (0, 0)>
#map1 = affine_map<(d0, d1) -> (0, 0, 0)>
module attributes {stable_mosaic.version = 14 : i64} {
  func.func @body(%arg0: i32, %arg1: i32, %arg2: memref<10000x64xf32, #tpu.memory_space<hbm>>, %arg3: memref<10000x64xf32, #tpu.memory_space<hbm>>, %arg4: memref<2560x128xi32, #tpu.memory_space<hbm>>, %arg5: memref<2560x128xi32, #tpu.memory_space<hbm>>, %arg6: memref<2x10112x64xf32, #tpu.memory_space<hbm>>, %arg7: memref<80x128xi32, #tpu.memory_space<vmem>>, %arg8: memref<80x128xi32, #tpu.memory_space<vmem>>, %arg9: memref<128x64xf32, #tpu.memory_space<vmem>>, %arg10: memref<128x64xf32, #tpu.memory_space<vmem>>, %arg11: memref<158x64xf32, #tpu.memory_space<vmem>>, %arg12: memref<10000x64xf32, #tpu.memory_space<vmem_shared>>, %arg13: memref<10112x64xf32, #tpu.memory_space<vmem_shared>>, %arg14: memref<!tpu.dma_semaphore, #tpu.memory_space<semaphore_mem>>, %arg15: memref<!tpu.dma_semaphore, #tpu.memory_space<semaphore_mem>>) attributes {dimension_semantics = [#tpu.dimension_semantics<core_parallel>, #tpu.dimension_semantics<subcore_parallel>], iteration_bounds = array<i64: 2, 16>, scalar_prefetch = 0 : i64, scratch_operands = 9 : i64, tpu.core_type = #tpu.core_type<sc_vector_subcore>, window_params = [{transform_indices = #map}, {transform_indices = #map}, {transform_indices = #map}, {transform_indices = #map}, {transform_indices = #map1}]} {
    %eq3A = arith.constant 0 : i32
    %eq3A_0 = arith.cmpi eq, %arg0, %eq3A : i32
    %convert_element_type3A = arith.extui %eq3A_0 : i1 to i32
    %cond3A = arith.constant 0 : i32
    %cond3A_1 = arith.cmpi ne, %convert_element_type3A, %cond3A : i32
    scf.if %cond3A_1 {
      %mul3A_47 = arith.constant 624 : i32
      %mul3A_48 = arith.muli %arg1, %mul3A_47 : i32
      %mul3A_49 = arith.constant 624 : i32
      %mul3A_50 = arith.muli %arg1, %mul3A_49 : i32
      %dma_start3A = arith.constant 0 : i32
      %dma_start3A_51 = tpu.memref_slice %arg12[%mul3A_50, %dma_start3A] : memref<10000x64xf32, #tpu.memory_space<vmem_shared>> -> memref<624x64xf32, #tpu.memory_space<vmem_shared>>
      %dma_start3A_52 = arith.constant 0 : i32
      %dma_start3A_53 = tpu.memref_slice %arg2[%mul3A_48, %dma_start3A_52] : memref<10000x64xf32, #tpu.memory_space<hbm>> -> memref<624x64xf32, #tpu.memory_space<hbm>>
      tpu.enqueue_dma source(%dma_start3A_53 : memref<624x64xf32, #tpu.memory_space<hbm>>) target(%dma_start3A_51 : memref<624x64xf32, #tpu.memory_space<vmem_shared>>) target_semaphore(%arg15 : memref<!tpu.dma_semaphore, #tpu.memory_space<semaphore_mem>>)
      %eq3A_54 = arith.constant 15 : i32
      %eq3A_55 = arith.cmpi eq, %arg1, %eq3A_54 : i32
      %convert_element_type3A_56 = arith.extui %eq3A_55 : i1 to i32
      %cond3A_57 = arith.constant 0 : i32
      %cond3A_58 = arith.cmpi ne, %convert_element_type3A_56, %cond3A_57 : i32
      scf.if %cond3A_58 {
        %dma_start3A_59 = arith.constant 9984 : i32
        %dma_start3A_60 = arith.constant 0 : i32
        %dma_start3A_61 = tpu.memref_slice %arg12[%dma_start3A_59, %dma_start3A_60] : memref<10000x64xf32, #tpu.memory_space<vmem_shared>> -> memref<16x64xf32, #tpu.memory_space<vmem_shared>>
        %dma_start3A_62 = arith.constant 9984 : i32
        %dma_start3A_63 = arith.constant 0 : i32
        %dma_start3A_64 = tpu.memref_slice %arg2[%dma_start3A_62, %dma_start3A_63] : memref<10000x64xf32, #tpu.memory_space<hbm>> -> memref<16x64xf32, #tpu.memory_space<hbm>>
        tpu.enqueue_dma source(%dma_start3A_64 : memref<16x64xf32, #tpu.memory_space<hbm>>) target(%dma_start3A_61 : memref<16x64xf32, #tpu.memory_space<vmem_shared>>) target_semaphore(%arg15 : memref<!tpu.dma_semaphore, #tpu.memory_space<semaphore_mem>>)
      } else {
      }
    } else {
    }
    %eq3A_2 = arith.constant 1 : i32
    %eq3A_3 = arith.cmpi eq, %arg0, %eq3A_2 : i32
    %convert_element_type3A_4 = arith.extui %eq3A_3 : i1 to i32
    %cond3A_5 = arith.constant 0 : i32
    %cond3A_6 = arith.cmpi ne, %convert_element_type3A_4, %cond3A_5 : i32
    scf.if %cond3A_6 {
      %mul3A_47 = arith.constant 624 : i32
      %mul3A_48 = arith.muli %arg1, %mul3A_47 : i32
      %mul3A_49 = arith.constant 624 : i32
      %mul3A_50 = arith.muli %arg1, %mul3A_49 : i32
      %dma_start3A = arith.constant 0 : i32
      %dma_start3A_51 = tpu.memref_slice %arg12[%mul3A_50, %dma_start3A] : memref<10000x64xf32, #tpu.memory_space<vmem_shared>> -> memref<624x64xf32, #tpu.memory_space<vmem_shared>>
      %dma_start3A_52 = arith.constant 0 : i32
      %dma_start3A_53 = tpu.memref_slice %arg3[%mul3A_48, %dma_start3A_52] : memref<10000x64xf32, #tpu.memory_space<hbm>> -> memref<624x64xf32, #tpu.memory_space<hbm>>
      tpu.enqueue_dma source(%dma_start3A_53 : memref<624x64xf32, #tpu.memory_space<hbm>>) target(%dma_start3A_51 : memref<624x64xf32, #tpu.memory_space<vmem_shared>>) target_semaphore(%arg15 : memref<!tpu.dma_semaphore, #tpu.memory_space<semaphore_mem>>)
      %eq3A_54 = arith.constant 15 : i32
      %eq3A_55 = arith.cmpi eq, %arg1, %eq3A_54 : i32
      %convert_element_type3A_56 = arith.extui %eq3A_55 : i1 to i32
      %cond3A_57 = arith.constant 0 : i32
      %cond3A_58 = arith.cmpi ne, %convert_element_type3A_56, %cond3A_57 : i32
      scf.if %cond3A_58 {
        %dma_start3A_59 = arith.constant 9984 : i32
        %dma_start3A_60 = arith.constant 0 : i32
        %dma_start3A_61 = tpu.memref_slice %arg12[%dma_start3A_59, %dma_start3A_60] : memref<10000x64xf32, #tpu.memory_space<vmem_shared>> -> memref<16x64xf32, #tpu.memory_space<vmem_shared>>
        %dma_start3A_62 = arith.constant 9984 : i32
        %dma_start3A_63 = arith.constant 0 : i32
        %dma_start3A_64 = tpu.memref_slice %arg3[%dma_start3A_62, %dma_start3A_63] : memref<10000x64xf32, #tpu.memory_space<hbm>> -> memref<16x64xf32, #tpu.memory_space<hbm>>
        tpu.enqueue_dma source(%dma_start3A_64 : memref<16x64xf32, #tpu.memory_space<hbm>>) target(%dma_start3A_61 : memref<16x64xf32, #tpu.memory_space<vmem_shared>>) target_semaphore(%arg15 : memref<!tpu.dma_semaphore, #tpu.memory_space<semaphore_mem>>)
      } else {
      }
    } else {
    }
    %scan3A = arith.constant 0 : i32
    %scan3A_7 = arith.constant 158 : i32
    %scan3A_8 = arith.addi %scan3A, %scan3A_7 : i32
    %scan3A_9 = arith.constant 1 : i32
    scf.for %scan3A_47 = %scan3A to %scan3A_8 step %scan3A_9  : i32 {
      %broadcast_in_dim3A = arith.constant 0.000000e+00 : f32
      %broadcast_in_dim3A_48 = vector.broadcast %broadcast_in_dim3A : f32 to vector<16xf32>
      %swap3A = arith.index_cast %scan3A_47 : i32 to index
      %swap3A_49 = arith.constant 0 : index
      %swap3A_50 = tpu.vector_load %arg11[%swap3A, %swap3A_49] {strides = array<i32>} : memref<158x64xf32, #tpu.memory_space<vmem>>, vector<1x16xf32>,
      %swap3A_51 = vector.shape_cast %swap3A_50 : vector<1x16xf32> to vector<16xf32>
      %swap3A_52 = vector.shape_cast %broadcast_in_dim3A_48 : vector<16xf32> to vector<1x16xf32>
      tpu.vector_store %arg11[%swap3A, %swap3A_49], %swap3A_52 {strides = array<i32>} : memref<158x64xf32, #tpu.memory_space<vmem>>, vector<1x16xf32>,
      %broadcast_in_dim3A_53 = arith.constant 0.000000e+00 : f32
      %broadcast_in_dim3A_54 = vector.broadcast %broadcast_in_dim3A_53 : f32 to vector<16xf32>
      %swap3A_55 = arith.index_cast %scan3A_47 : i32 to index
      %swap3A_56 = arith.constant 16 : index
      %swap3A_57 = tpu.vector_load %arg11[%swap3A_55, %swap3A_56] {strides = array<i32>} : memref<158x64xf32, #tpu.memory_space<vmem>>, vector<1x16xf32>,
      %swap3A_58 = vector.shape_cast %swap3A_57 : vector<1x16xf32> to vector<16xf32>
      %swap3A_59 = vector.shape_cast %broadcast_in_dim3A_54 : vector<16xf32> to vector<1x16xf32>
      tpu.vector_store %arg11[%swap3A_55, %swap3A_56], %swap3A_59 {strides = array<i32>} : memref<158x64xf32, #tpu.memory_space<vmem>>, vector<1x16xf32>,
      %broadcast_in_dim3A_60 = arith.constant 0.000000e+00 : f32
      %broadcast_in_dim3A_61 = vector.broadcast %broadcast_in_dim3A_60 : f32 to vector<16xf32>
      %swap3A_62 = arith.index_cast %scan3A_47 : i32 to index
      %swap3A_63 = arith.constant 32 : index
      %swap3A_64 = tpu.vector_load %arg11[%swap3A_62, %swap3A_63] {strides = array<i32>} : memref<158x64xf32, #tpu.memory_space<vmem>>, vector<1x16xf32>,
      %swap3A_65 = vector.shape_cast %swap3A_64 : vector<1x16xf32> to vector<16xf32>
      %swap3A_66 = vector.shape_cast %broadcast_in_dim3A_61 : vector<16xf32> to vector<1x16xf32>
      tpu.vector_store %arg11[%swap3A_62, %swap3A_63], %swap3A_66 {strides = array<i32>} : memref<158x64xf32, #tpu.memory_space<vmem>>, vector<1x16xf32>,
      %broadcast_in_dim3A_67 = arith.constant 0.000000e+00 : f32
      %broadcast_in_dim3A_68 = vector.broadcast %broadcast_in_dim3A_67 : f32 to vector<16xf32>
      %swap3A_69 = arith.index_cast %scan3A_47 : i32 to index
      %swap3A_70 = arith.constant 48 : index
      %swap3A_71 = tpu.vector_load %arg11[%swap3A_69, %swap3A_70] {strides = array<i32>} : memref<158x64xf32, #tpu.memory_space<vmem>>, vector<1x16xf32>,
      %swap3A_72 = vector.shape_cast %swap3A_71 : vector<1x16xf32> to vector<16xf32>
      %swap3A_73 = vector.shape_cast %broadcast_in_dim3A_68 : vector<16xf32> to vector<1x16xf32>
      tpu.vector_store %arg11[%swap3A_69, %swap3A_70], %swap3A_73 {strides = array<i32>} : memref<158x64xf32, #tpu.memory_space<vmem>>, vector<1x16xf32>,
    }
    %scan3A_10 = arith.constant 158 : i32
    %mul3A = arith.constant 632 : i32
    %mul3A_11 = arith.muli %arg1, %mul3A : i32
    %add3A = arith.constant 0 : i32
    %add3A_12 = arith.addi %mul3A_11, %add3A : i32
    "tpu.region"() ({
      %run_scoped3A = tpu.sem_alloc : memref<!tpu.dma_semaphore, #tpu.memory_space<semaphore_mem>>
      %dma_start3A = arith.constant 0 : i32
      %dma_start3A_47 = tpu.memref_slice %arg13[%add3A_12, %dma_start3A] : memref<10112x64xf32, #tpu.memory_space<vmem_shared>> -> memref<158x64xf32, #tpu.memory_space<vmem_shared>>
      %dma_start3A_48 = arith.constant 0 : i32
      %dma_start3A_49 = tpu.memref_slice %arg13[%add3A_12, %dma_start3A_48] : memref<10112x64xf32, #tpu.memory_space<vmem_shared>> -> memref<158x64xf32, #tpu.memory_space<vmem_shared>>
      tpu.enqueue_dma source(%arg11 : memref<158x64xf32, #tpu.memory_space<vmem>>) target(%dma_start3A_49 : memref<158x64xf32, #tpu.memory_space<vmem_shared>>) target_semaphore(%run_scoped3A : memref<!tpu.dma_semaphore, #tpu.memory_space<semaphore_mem>>)
      %dma_wait3A_50 = arith.constant 0 : i32
      %dma_wait3A_51 = tpu.memref_slice %arg13[%add3A_12, %dma_wait3A_50] : memref<10112x64xf32, #tpu.memory_space<vmem_shared>> -> memref<158x64xf32, #tpu.memory_space<vmem_shared>>
      %dma_wait3A_52 = arith.constant 0 : i32
      %dma_wait3A_53 = tpu.memref_slice %arg13[%add3A_12, %dma_wait3A_52] : memref<10112x64xf32, #tpu.memory_space<vmem_shared>> -> memref<158x64xf32, #tpu.memory_space<vmem_shared>>
      tpu.wait_dma2 semaphore(%run_scoped3A : memref<!tpu.dma_semaphore, #tpu.memory_space<semaphore_mem>>) src(%arg11 : memref<158x64xf32, #tpu.memory_space<vmem>>) dst(%dma_wait3A_53 : memref<158x64xf32, #tpu.memory_space<vmem_shared>>)
      tpu.yield
    }) : () -> ()
    %mul3A_13 = arith.constant 632 : i32
    %mul3A_14 = arith.muli %arg1, %mul3A_13 : i32
    %add3A_15 = arith.constant 158 : i32
    %add3A_16 = arith.addi %mul3A_14, %add3A_15 : i32
    "tpu.region"() ({
      %run_scoped3A = tpu.sem_alloc : memref<!tpu.dma_semaphore, #tpu.memory_space<semaphore_mem>>
      %dma_start3A = arith.constant 0 : i32
      %dma_start3A_47 = tpu.memref_slice %arg13[%add3A_16, %dma_start3A] : memref<10112x64xf32, #tpu.memory_space<vmem_shared>> -> memref<158x64xf32, #tpu.memory_space<vmem_shared>>
      %dma_start3A_48 = arith.constant 0 : i32
      %dma_start3A_49 = tpu.memref_slice %arg13[%add3A_16, %dma_start3A_48] : memref<10112x64xf32, #tpu.memory_space<vmem_shared>> -> memref<158x64xf32, #tpu.memory_space<vmem_shared>>
      tpu.enqueue_dma source(%arg11 : memref<158x64xf32, #tpu.memory_space<vmem>>) target(%dma_start3A_49 : memref<158x64xf32, #tpu.memory_space<vmem_shared>>) target_semaphore(%run_scoped3A : memref<!tpu.dma_semaphore, #tpu.memory_space<semaphore_mem>>)
      %dma_wait3A_50 = arith.constant 0 : i32
      %dma_wait3A_51 = tpu.memref_slice %arg13[%add3A_16, %dma_wait3A_50] : memref<10112x64xf32, #tpu.memory_space<vmem_shared>> -> memref<158x64xf32, #tpu.memory_space<vmem_shared>>
      %dma_wait3A_52 = arith.constant 0 : i32
      %dma_wait3A_53 = tpu.memref_slice %arg13[%add3A_16, %dma_wait3A_52] : memref<10112x64xf32, #tpu.memory_space<vmem_shared>> -> memref<158x64xf32, #tpu.memory_space<vmem_shared>>
      tpu.wait_dma2 semaphore(%run_scoped3A : memref<!tpu.dma_semaphore, #tpu.memory_space<semaphore_mem>>) src(%arg11 : memref<158x64xf32, #tpu.memory_space<vmem>>) dst(%dma_wait3A_53 : memref<158x64xf32, #tpu.memory_space<vmem_shared>>)
      tpu.yield
    }) : () -> ()
    %mul3A_17 = arith.constant 632 : i32
    %mul3A_18 = arith.muli %arg1, %mul3A_17 : i32
    %add3A_19 = arith.constant 316 : i32
    %add3A_20 = arith.addi %mul3A_18, %add3A_19 : i32
    "tpu.region"() ({
      %run_scoped3A = tpu.sem_alloc : memref<!tpu.dma_semaphore, #tpu.memory_space<semaphore_mem>>
      %dma_start3A = arith.constant 0 : i32
      %dma_start3A_47 = tpu.memref_slice %arg13[%add3A_20, %dma_start3A] : memref<10112x64xf32, #tpu.memory_space<vmem_shared>> -> memref<158x64xf32, #tpu.memory_space<vmem_shared>>
      %dma_start3A_48 = arith.constant 0 : i32
      %dma_start3A_49 = tpu.memref_slice %arg13[%add3A_20, %dma_start3A_48] : memref<10112x64xf32, #tpu.memory_space<vmem_shared>> -> memref<158x64xf32, #tpu.memory_space<vmem_shared>>
      tpu.enqueue_dma source(%arg11 : memref<158x64xf32, #tpu.memory_space<vmem>>) target(%dma_start3A_49 : memref<158x64xf32, #tpu.memory_space<vmem_shared>>) target_semaphore(%run_scoped3A : memref<!tpu.dma_semaphore, #tpu.memory_space<semaphore_mem>>)
      %dma_wait3A_50 = arith.constant 0 : i32
      %dma_wait3A_51 = tpu.memref_slice %arg13[%add3A_20, %dma_wait3A_50] : memref<10112x64xf32, #tpu.memory_space<vmem_shared>> -> memref<158x64xf32, #tpu.memory_space<vmem_shared>>
      %dma_wait3A_52 = arith.constant 0 : i32
      %dma_wait3A_53 = tpu.memref_slice %arg13[%add3A_20, %dma_wait3A_52] : memref<10112x64xf32, #tpu.memory_space<vmem_shared>> -> memref<158x64xf32, #tpu.memory_space<vmem_shared>>
      tpu.wait_dma2 semaphore(%run_scoped3A : memref<!tpu.dma_semaphore, #tpu.memory_space<semaphore_mem>>) src(%arg11 : memref<158x64xf32, #tpu.memory_space<vmem>>) dst(%dma_wait3A_53 : memref<158x64xf32, #tpu.memory_space<vmem_shared>>)
      tpu.yield
    }) : () -> ()
    %mul3A_21 = arith.constant 632 : i32
    %mul3A_22 = arith.muli %arg1, %mul3A_21 : i32
    %add3A_23 = arith.constant 474 : i32
    %add3A_24 = arith.addi %mul3A_22, %add3A_23 : i32
    "tpu.region"() ({
      %run_scoped3A = tpu.sem_alloc : memref<!tpu.dma_semaphore, #tpu.memory_space<semaphore_mem>>
      %dma_start3A = arith.constant 0 : i32
      %dma_start3A_47 = tpu.memref_slice %arg13[%add3A_24, %dma_start3A] : memref<10112x64xf32, #tpu.memory_space<vmem_shared>> -> memref<158x64xf32, #tpu.memory_space<vmem_shared>>
      %dma_start3A_48 = arith.constant 0 : i32
      %dma_start3A_49 = tpu.memref_slice %arg13[%add3A_24, %dma_start3A_48] : memref<10112x64xf32, #tpu.memory_space<vmem_shared>> -> memref<158x64xf32, #tpu.memory_space<vmem_shared>>
      tpu.enqueue_dma source(%arg11 : memref<158x64xf32, #tpu.memory_space<vmem>>) target(%dma_start3A_49 : memref<158x64xf32, #tpu.memory_space<vmem_shared>>) target_semaphore(%run_scoped3A : memref<!tpu.dma_semaphore, #tpu.memory_space<semaphore_mem>>)
      %dma_wait3A_50 = arith.constant 0 : i32
      %dma_wait3A_51 = tpu.memref_slice %arg13[%add3A_24, %dma_wait3A_50] : memref<10112x64xf32, #tpu.memory_space<vmem_shared>> -> memref<158x64xf32, #tpu.memory_space<vmem_shared>>
      %dma_wait3A_52 = arith.constant 0 : i32
      %dma_wait3A_53 = tpu.memref_slice %arg13[%add3A_24, %dma_wait3A_52] : memref<10112x64xf32, #tpu.memory_space<vmem_shared>> -> memref<158x64xf32, #tpu.memory_space<vmem_shared>>
      tpu.wait_dma2 semaphore(%run_scoped3A : memref<!tpu.dma_semaphore, #tpu.memory_space<semaphore_mem>>) src(%arg11 : memref<158x64xf32, #tpu.memory_space<vmem>>) dst(%dma_wait3A_53 : memref<158x64xf32, #tpu.memory_space<vmem_shared>>)
      tpu.yield
    }) : () -> ()
    %mul3A_25 = arith.constant 624 : i32
    %mul3A_26 = arith.muli %arg1, %mul3A_25 : i32
    %mul3A_27 = arith.constant 624 : i32
    %mul3A_28 = arith.muli %arg1, %mul3A_27 : i32
    %dma_wait3A = arith.constant 0 : i32
    %dma_wait3A_29 = tpu.memref_slice %arg12[%mul3A_28, %dma_wait3A] : memref<10000x64xf32, #tpu.memory_space<vmem_shared>> -> memref<624x64xf32, #tpu.memory_space<vmem_shared>>
    %dma_wait3A_30 = arith.constant 0 : i32
    %dma_wait3A_31 = tpu.memref_slice %arg2[%mul3A_26, %dma_wait3A_30] : memref<10000x64xf32, #tpu.memory_space<hbm>> -> memref<624x64xf32, #tpu.memory_space<hbm>>
    tpu.wait_dma2 semaphore(%arg15 : memref<!tpu.dma_semaphore, #tpu.memory_space<semaphore_mem>>) src(%dma_wait3A_31 : memref<624x64xf32, #tpu.memory_space<hbm>>) dst(%dma_wait3A_29 : memref<624x64xf32, #tpu.memory_space<vmem_shared>>)
    %eq3A_32 = arith.constant 15 : i32
    %eq3A_33 = arith.cmpi eq, %arg1, %eq3A_32 : i32
    %convert_element_type3A_34 = arith.extui %eq3A_33 : i1 to i32
    %cond3A_35 = arith.constant 0 : i32
    %cond3A_36 = arith.cmpi ne, %convert_element_type3A_34, %cond3A_35 : i32
    scf.if %cond3A_36 {
      %dma_wait3A_47 = arith.constant 9984 : i32
      %dma_wait3A_48 = arith.constant 0 : i32
      %dma_wait3A_49 = tpu.memref_slice %arg12[%dma_wait3A_47, %dma_wait3A_48] : memref<10000x64xf32, #tpu.memory_space<vmem_shared>> -> memref<16x64xf32, #tpu.memory_space<vmem_shared>>
      %dma_wait3A_50 = arith.constant 9984 : i32
      %dma_wait3A_51 = arith.constant 0 : i32
      %dma_wait3A_52 = tpu.memref_slice %arg2[%dma_wait3A_50, %dma_wait3A_51] : memref<10000x64xf32, #tpu.memory_space<hbm>> -> memref<16x64xf32, #tpu.memory_space<hbm>>
      tpu.wait_dma2 semaphore(%arg15 : memref<!tpu.dma_semaphore, #tpu.memory_space<semaphore_mem>>) src(%dma_wait3A_52 : memref<16x64xf32, #tpu.memory_space<hbm>>) dst(%dma_wait3A_49 : memref<16x64xf32, #tpu.memory_space<vmem_shared>>)
    } else {
    }
    %barrier3A = arith.constant 0 : index
    tpu.barrier barrier_id(%barrier3A)
    %scan3A_37 = arith.constant 0 : i32
    %scan3A_38 = arith.constant 2 : i32
    %scan3A_39 = arith.addi %scan3A_37, %scan3A_38 : i32
    %scan3A_40 = arith.constant 1 : i32
    scf.for %scan3A_47 = %scan3A_37 to %scan3A_39 step %scan3A_40  : i32 {
      %mul3A_48 = arith.constant 160 : i32
      %mul3A_49 = arith.muli %arg1, %mul3A_48 : i32
      %mul3A_50 = arith.constant 80 : i32
      %mul3A_51 = arith.muli %scan3A_47, %mul3A_50 : i32
      %add3A_52 = arith.addi %mul3A_49, %mul3A_51 : i32
      %multiple_of3A = tpu.assume_multiple %add3A_52, 8 : i32
      "tpu.region"() ({
        %run_scoped3A = tpu.sem_alloc : memref<!tpu.dma_semaphore, #tpu.memory_space<semaphore_mem>>
        %dma_start3A_64 = arith.constant 0 : i32
        %dma_start3A_65 = tpu.memref_slice %arg4[%multiple_of3A, %dma_start3A_64] : memref<2560x128xi32, #tpu.memory_space<hbm>> -> memref<80x128xi32, #tpu.memory_space<hbm>>
        %dma_start3A_66 = arith.constant 0 : i32
        %dma_start3A_67 = tpu.memref_slice %arg4[%multiple_of3A, %dma_start3A_66] : memref<2560x128xi32, #tpu.memory_space<hbm>> -> memref<80x128xi32, #tpu.memory_space<hbm>>
        tpu.enqueue_dma source(%dma_start3A_67 : memref<80x128xi32, #tpu.memory_space<hbm>>) target(%arg7 : memref<80x128xi32, #tpu.memory_space<vmem>>) target_semaphore(%run_scoped3A : memref<!tpu.dma_semaphore, #tpu.memory_space<semaphore_mem>>)
        %dma_wait3A_68 = arith.constant 0 : i32
        %dma_wait3A_69 = tpu.memref_slice %arg4[%multiple_of3A, %dma_wait3A_68] : memref<2560x128xi32, #tpu.memory_space<hbm>> -> memref<80x128xi32, #tpu.memory_space<hbm>>
        %dma_wait3A_70 = arith.constant 0 : i32
        %dma_wait3A_71 = tpu.memref_slice %arg4[%multiple_of3A, %dma_wait3A_70] : memref<2560x128xi32, #tpu.memory_space<hbm>> -> memref<80x128xi32, #tpu.memory_space<hbm>>
        tpu.wait_dma2 semaphore(%run_scoped3A : memref<!tpu.dma_semaphore, #tpu.memory_space<semaphore_mem>>) src(%dma_wait3A_71 : memref<80x128xi32, #tpu.memory_space<hbm>>) dst(%arg7 : memref<80x128xi32, #tpu.memory_space<vmem>>)
        tpu.yield
      }) : () -> ()
      "tpu.region"() ({
        %run_scoped3A = tpu.sem_alloc : memref<!tpu.dma_semaphore, #tpu.memory_space<semaphore_mem>>
        %dma_start3A_64 = arith.constant 0 : i32
        %dma_start3A_65 = tpu.memref_slice %arg5[%multiple_of3A, %dma_start3A_64] : memref<2560x128xi32, #tpu.memory_space<hbm>> -> memref<80x128xi32, #tpu.memory_space<hbm>>
        %dma_start3A_66 = arith.constant 0 : i32
        %dma_start3A_67 = tpu.memref_slice %arg5[%multiple_of3A, %dma_start3A_66] : memref<2560x128xi32, #tpu.memory_space<hbm>> -> memref<80x128xi32, #tpu.memory_space<hbm>>
        tpu.enqueue_dma source(%dma_start3A_67 : memref<80x128xi32, #tpu.memory_space<hbm>>) target(%arg8 : memref<80x128xi32, #tpu.memory_space<vmem>>) target_semaphore(%run_scoped3A : memref<!tpu.dma_semaphore, #tpu.memory_space<semaphore_mem>>)
        %dma_wait3A_68 = arith.constant 0 : i32
        %dma_wait3A_69 = tpu.memref_slice %arg5[%multiple_of3A, %dma_wait3A_68] : memref<2560x128xi32, #tpu.memory_space<hbm>> -> memref<80x128xi32, #tpu.memory_space<hbm>>
        %dma_wait3A_70 = arith.constant 0 : i32
        %dma_wait3A_71 = tpu.memref_slice %arg5[%multiple_of3A, %dma_wait3A_70] : memref<2560x128xi32, #tpu.memory_space<hbm>> -> memref<80x128xi32, #tpu.memory_space<hbm>>
        tpu.wait_dma2 semaphore(%run_scoped3A : memref<!tpu.dma_semaphore, #tpu.memory_space<semaphore_mem>>) src(%dma_wait3A_71 : memref<80x128xi32, #tpu.memory_space<hbm>>) dst(%arg8 : memref<80x128xi32, #tpu.memory_space<vmem>>)
        tpu.yield
      }) : () -> ()
      %dma_start3A = arith.constant 0 : i32
      %dma_start3A_53 = arith.constant 0 : i32
      %dma_start3A_54 = tpu.memref_slice %arg7[%dma_start3A, %dma_start3A_53] : memref<80x128xi32, #tpu.memory_space<vmem>> -> memref<1x128xi32, #tpu.memory_space<vmem>>
      %dma_start3A_55 = tpu.memref_squeeze %dma_start3A_54 : memref<1x128xi32, #tpu.memory_space<vmem>> -> memref<128xi32, #tpu.memory_space<vmem>>
      %dma_start3A_56 = arith.constant 0 : i32
      %dma_start3A_57 = arith.constant 0 : i32
      %dma_start3A_58 = tpu.memref_slice %arg12[%dma_start3A_56, %dma_start3A_57] : memref<10000x64xf32, #tpu.memory_space<vmem_shared>> -> memref<10000x64xf32, #tpu.memory_space<vmem_shared>>
      tpu.enqueue_indirect_dma source(%dma_start3A_58 : memref<10000x64xf32, #tpu.memory_space<vmem_shared>>) target(%arg9 : memref<128x64xf32, #tpu.memory_space<vmem>>) offsets(%dma_start3A_55 : memref<128xi32, #tpu.memory_space<vmem>>) semaphore(%arg14 : memref<!tpu.dma_semaphore, #tpu.memory_space<semaphore_mem>>)
      %scan3A_59 = arith.constant 0 : i32
      %scan3A_60 = arith.constant 40 : i32
      %scan3A_61 = arith.addi %scan3A_59, %scan3A_60 : i32
      %scan3A_62 = arith.constant 1 : i32
      scf.for %scan3A_64 = %scan3A_59 to %scan3A_61 step %scan3A_62  : i32 {
        %mul3A_65 = arith.constant 2 : i32
        %mul3A_66 = arith.muli %mul3A_65, %scan3A_64 : i32
        %add3A_67 = arith.constant 1 : i32
        %add3A_68 = arith.addi %mul3A_66, %add3A_67 : i32
        %dma_start3A_69 = arith.constant 0 : i32
        %dma_start3A_70 = tpu.memref_slice %arg7[%add3A_68, %dma_start3A_69] : memref<80x128xi32, #tpu.memory_space<vmem>> -> memref<1x128xi32, #tpu.memory_space<vmem>>
        %dma_start3A_71 = tpu.memref_squeeze %dma_start3A_70 : memref<1x128xi32, #tpu.memory_space<vmem>> -> memref<128xi32, #tpu.memory_space<vmem>>
        %dma_start3A_72 = arith.constant 0 : i32
        %dma_start3A_73 = arith.constant 0 : i32
        %dma_start3A_74 = tpu.memref_slice %arg12[%dma_start3A_72, %dma_start3A_73] : memref<10000x64xf32, #tpu.memory_space<vmem_shared>> -> memref<10000x64xf32, #tpu.memory_space<vmem_shared>>
        tpu.enqueue_indirect_dma source(%dma_start3A_74 : memref<10000x64xf32, #tpu.memory_space<vmem_shared>>) target(%arg10 : memref<128x64xf32, #tpu.memory_space<vmem>>) offsets(%dma_start3A_71 : memref<128xi32, #tpu.memory_space<vmem>>) semaphore(%arg15 : memref<!tpu.dma_semaphore, #tpu.memory_space<semaphore_mem>>)
        %dma_wait3A_75 = arith.constant 0 : i32
        %dma_wait3A_76 = tpu.memref_slice %arg7[%mul3A_66, %dma_wait3A_75] : memref<80x128xi32, #tpu.memory_space<vmem>> -> memref<1x128xi32, #tpu.memory_space<vmem>>
        %dma_wait3A_77 = tpu.memref_squeeze %dma_wait3A_76 : memref<1x128xi32, #tpu.memory_space<vmem>> -> memref<128xi32, #tpu.memory_space<vmem>>
        %dma_wait3A_78 = arith.constant 0 : i32
        %dma_wait3A_79 = arith.constant 0 : i32
        %dma_wait3A_80 = tpu.memref_slice %arg12[%dma_wait3A_78, %dma_wait3A_79] : memref<10000x64xf32, #tpu.memory_space<vmem_shared>> -> memref<10000x64xf32, #tpu.memory_space<vmem_shared>>
        tpu.wait_indirect_dma semaphore(%arg14 : memref<!tpu.dma_semaphore, #tpu.memory_space<semaphore_mem>>) src(%dma_wait3A_80 : memref<10000x64xf32, #tpu.memory_space<vmem_shared>>) dst(%arg9 : memref<128x64xf32, #tpu.memory_space<vmem>>)
        "tpu.region"() ({
          %run_scoped3A = tpu.sem_alloc : memref<!tpu.dma_semaphore, #tpu.memory_space<semaphore_mem>>
          %dma_start3A_95 = arith.constant 0 : i32
          %dma_start3A_96 = tpu.memref_slice %arg8[%mul3A_66, %dma_start3A_95] : memref<80x128xi32, #tpu.memory_space<vmem>> -> memref<1x128xi32, #tpu.memory_space<vmem>>
          %dma_start3A_97 = tpu.memref_squeeze %dma_start3A_96 : memref<1x128xi32, #tpu.memory_space<vmem>> -> memref<128xi32, #tpu.memory_space<vmem>>
          %dma_start3A_98 = arith.constant 0 : i32
          %dma_start3A_99 = arith.constant 0 : i32
          %dma_start3A_100 = tpu.memref_slice %arg13[%dma_start3A_98, %dma_start3A_99] : memref<10112x64xf32, #tpu.memory_space<vmem_shared>> -> memref<10112x64xf32, #tpu.memory_space<vmem_shared>>
          tpu.enqueue_indirect_dma source(%arg9 : memref<128x64xf32, #tpu.memory_space<vmem>>) target(%dma_start3A_100 : memref<10112x64xf32, #tpu.memory_space<vmem_shared>>) offsets(%dma_start3A_97 : memref<128xi32, #tpu.memory_space<vmem>>) semaphore(%run_scoped3A : memref<!tpu.dma_semaphore, #tpu.memory_space<semaphore_mem>>) {add = true}
          %dma_wait3A_101 = arith.constant 0 : i32
          %dma_wait3A_102 = tpu.memref_slice %arg8[%mul3A_66, %dma_wait3A_101] : memref<80x128xi32, #tpu.memory_space<vmem>> -> memref<1x128xi32, #tpu.memory_space<vmem>>
          %dma_wait3A_103 = tpu.memref_squeeze %dma_wait3A_102 : memref<1x128xi32, #tpu.memory_space<vmem>> -> memref<128xi32, #tpu.memory_space<vmem>>
          %dma_wait3A_104 = arith.constant 0 : i32
          %dma_wait3A_105 = arith.constant 0 : i32
          %dma_wait3A_106 = tpu.memref_slice %arg13[%dma_wait3A_104, %dma_wait3A_105] : memref<10112x64xf32, #tpu.memory_space<vmem_shared>> -> memref<10112x64xf32, #tpu.memory_space<vmem_shared>>
          tpu.wait_indirect_dma semaphore(%run_scoped3A : memref<!tpu.dma_semaphore, #tpu.memory_space<semaphore_mem>>) src(%arg9 : memref<128x64xf32, #tpu.memory_space<vmem>>) dst(%dma_wait3A_106 : memref<10112x64xf32, #tpu.memory_space<vmem_shared>>)
          tpu.yield
        }) : () -> ()
        %add3A_81 = arith.constant 2 : i32
        %add3A_82 = arith.addi %mul3A_66, %add3A_81 : i32
        %lt3A = arith.constant 80 : i32
        %lt3A_83 = arith.cmpi slt, %add3A_82, %lt3A : i32
        %convert_element_type3A_84 = arith.extui %lt3A_83 : i1 to i32
        %cond3A_85 = arith.constant 0 : i32
        %cond3A_86 = arith.cmpi ne, %convert_element_type3A_84, %cond3A_85 : i32
        scf.if %cond3A_86 {
          %add3A_95 = arith.constant 2 : i32
          %add3A_96 = arith.addi %mul3A_66, %add3A_95 : i32
          %dma_start3A_97 = arith.constant 0 : i32
          %dma_start3A_98 = tpu.memref_slice %arg7[%add3A_96, %dma_start3A_97] : memref<80x128xi32, #tpu.memory_space<vmem>> -> memref<1x128xi32, #tpu.memory_space<vmem>>
          %dma_start3A_99 = tpu.memref_squeeze %dma_start3A_98 : memref<1x128xi32, #tpu.memory_space<vmem>> -> memref<128xi32, #tpu.memory_space<vmem>>
          %dma_start3A_100 = arith.constant 0 : i32
          %dma_start3A_101 = arith.constant 0 : i32
          %dma_start3A_102 = tpu.memref_slice %arg12[%dma_start3A_100, %dma_start3A_101] : memref<10000x64xf32, #tpu.memory_space<vmem_shared>> -> memref<10000x64xf32, #tpu.memory_space<vmem_shared>>
          tpu.enqueue_indirect_dma source(%dma_start3A_102 : memref<10000x64xf32, #tpu.memory_space<vmem_shared>>) target(%arg9 : memref<128x64xf32, #tpu.memory_space<vmem>>) offsets(%dma_start3A_99 : memref<128xi32, #tpu.memory_space<vmem>>) semaphore(%arg14 : memref<!tpu.dma_semaphore, #tpu.memory_space<semaphore_mem>>)
        } else {
        }
        %dma_wait3A_87 = arith.constant 0 : i32
        %dma_wait3A_88 = tpu.memref_slice %arg7[%add3A_68, %dma_wait3A_87] : memref<80x128xi32, #tpu.memory_space<vmem>> -> memref<1x128xi32, #tpu.memory_space<vmem>>
        %dma_wait3A_89 = tpu.memref_squeeze %dma_wait3A_88 : memref<1x128xi32, #tpu.memory_space<vmem>> -> memref<128xi32, #tpu.memory_space<vmem>>
        %dma_wait3A_90 = arith.constant 0 : i32
        %dma_wait3A_91 = arith.constant 0 : i32
        %dma_wait3A_92 = tpu.memref_slice %arg12[%dma_wait3A_90, %dma_wait3A_91] : memref<10000x64xf32, #tpu.memory_space<vmem_shared>> -> memref<10000x64xf32, #tpu.memory_space<vmem_shared>>
        tpu.wait_indirect_dma semaphore(%arg15 : memref<!tpu.dma_semaphore, #tpu.memory_space<semaphore_mem>>) src(%dma_wait3A_92 : memref<10000x64xf32, #tpu.memory_space<vmem_shared>>) dst(%arg10 : memref<128x64xf32, #tpu.memory_space<vmem>>)
        %add3A_93 = arith.constant 1 : i32
        %add3A_94 = arith.addi %mul3A_66, %add3A_93 : i32
        "tpu.region"() ({
          %run_scoped3A = tpu.sem_alloc : memref<!tpu.dma_semaphore, #tpu.memory_space<semaphore_mem>>
          %dma_start3A_95 = arith.constant 0 : i32
          %dma_start3A_96 = tpu.memref_slice %arg8[%add3A_94, %dma_start3A_95] : memref<80x128xi32, #tpu.memory_space<vmem>> -> memref<1x128xi32, #tpu.memory_space<vmem>>
          %dma_start3A_97 = tpu.memref_squeeze %dma_start3A_96 : memref<1x128xi32, #tpu.memory_space<vmem>> -> memref<128xi32, #tpu.memory_space<vmem>>
          %dma_start3A_98 = arith.constant 0 : i32
          %dma_start3A_99 = arith.constant 0 : i32
          %dma_start3A_100 = tpu.memref_slice %arg13[%dma_start3A_98, %dma_start3A_99] : memref<10112x64xf32, #tpu.memory_space<vmem_shared>> -> memref<10112x64xf32, #tpu.memory_space<vmem_shared>>
          tpu.enqueue_indirect_dma source(%arg10 : memref<128x64xf32, #tpu.memory_space<vmem>>) target(%dma_start3A_100 : memref<10112x64xf32, #tpu.memory_space<vmem_shared>>) offsets(%dma_start3A_97 : memref<128xi32, #tpu.memory_space<vmem>>) semaphore(%run_scoped3A : memref<!tpu.dma_semaphore, #tpu.memory_space<semaphore_mem>>) {add = true}
          %dma_wait3A_101 = arith.constant 0 : i32
          %dma_wait3A_102 = tpu.memref_slice %arg8[%add3A_94, %dma_wait3A_101] : memref<80x128xi32, #tpu.memory_space<vmem>> -> memref<1x128xi32, #tpu.memory_space<vmem>>
          %dma_wait3A_103 = tpu.memref_squeeze %dma_wait3A_102 : memref<1x128xi32, #tpu.memory_space<vmem>> -> memref<128xi32, #tpu.memory_space<vmem>>
          %dma_wait3A_104 = arith.constant 0 : i32
          %dma_wait3A_105 = arith.constant 0 : i32
          %dma_wait3A_106 = tpu.memref_slice %arg13[%dma_wait3A_104, %dma_wait3A_105] : memref<10112x64xf32, #tpu.memory_space<vmem_shared>> -> memref<10112x64xf32, #tpu.memory_space<vmem_shared>>
          tpu.wait_indirect_dma semaphore(%run_scoped3A : memref<!tpu.dma_semaphore, #tpu.memory_space<semaphore_mem>>) src(%arg10 : memref<128x64xf32, #tpu.memory_space<vmem>>) dst(%dma_wait3A_106 : memref<10112x64xf32, #tpu.memory_space<vmem_shared>>)
          tpu.yield
        }) : () -> ()
      }
      %scan3A_63 = arith.constant 40 : i32
    }
    %scan3A_41 = arith.constant 2 : i32
    %barrier3A_42 = arith.constant 0 : index
    tpu.barrier barrier_id(%barrier3A_42)
    %mul3A_43 = arith.constant 632 : i32
    %mul3A_44 = arith.muli %arg1, %mul3A_43 : i32
    %mul3A_45 = arith.constant 632 : i32
    %mul3A_46 = arith.muli %arg1, %mul3A_45 : i32
    "tpu.region"() ({
      %run_scoped3A = tpu.sem_alloc : memref<!tpu.dma_semaphore, #tpu.memory_space<semaphore_mem>>
      %dma_start3A = arith.constant 0 : i32
      %dma_start3A_47 = tpu.memref_slice %arg6[%arg0, %mul3A_46, %dma_start3A] : memref<2x10112x64xf32, #tpu.memory_space<hbm>> -> memref<1x632x64xf32, #tpu.memory_space<hbm>>
      %dma_start3A_48 = tpu.memref_squeeze %dma_start3A_47 : memref<1x632x64xf32, #tpu.memory_space<hbm>> -> memref<632x64xf32, #tpu.memory_space<hbm>>
      %dma_start3A_49 = arith.constant 0 : i32
      %dma_start3A_50 = tpu.memref_slice %arg13[%mul3A_44, %dma_start3A_49] : memref<10112x64xf32, #tpu.memory_space<vmem_shared>> -> memref<632x64xf32, #tpu.memory_space<vmem_shared>>
      tpu.enqueue_dma source(%dma_start3A_50 : memref<632x64xf32, #tpu.memory_space<vmem_shared>>) target(%dma_start3A_48 : memref<632x64xf32, #tpu.memory_space<hbm>>) target_semaphore(%run_scoped3A : memref<!tpu.dma_semaphore, #tpu.memory_space<semaphore_mem>>)
      %dma_wait3A_51 = arith.constant 0 : i32
      %dma_wait3A_52 = tpu.memref_slice %arg6[%arg0, %mul3A_46, %dma_wait3A_51] : memref<2x10112x64xf32, #tpu.memory_space<hbm>> -> memref<1x632x64xf32, #tpu.memory_space<hbm>>
      %dma_wait3A_53 = tpu.memref_squeeze %dma_wait3A_52 : memref<1x632x64xf32, #tpu.memory_space<hbm>> -> memref<632x64xf32, #tpu.memory_space<hbm>>
      %dma_wait3A_54 = arith.constant 0 : i32
      %dma_wait3A_55 = tpu.memref_slice %arg13[%mul3A_44, %dma_wait3A_54] : memref<10112x64xf32, #tpu.memory_space<vmem_shared>> -> memref<632x64xf32, #tpu.memory_space<vmem_shared>>
      tpu.wait_dma2 semaphore(%run_scoped3A : memref<!tpu.dma_semaphore, #tpu.memory_space<semaphore_mem>>) src(%dma_wait3A_55 : memref<632x64xf32, #tpu.memory_space<vmem_shared>>) dst(%dma_wait3A_53 : memref<632x64xf32, #tpu.memory_space<hbm>>)
      tpu.yield
    }) : () -> ()
    return
  }
}

module attributes {stable_mosaic.version = 14 : i64} {
  func.func @_l1_body(%arg0: i32, %arg1: memref<2000x128xf32, #tpu.memory_space<vmem>>, %arg2: memref<1x2000x64xf32, #tpu.memory_space<vmem>>, %arg3: memref<1x2000x64xf32, #tpu.memory_space<vmem>>, %arg4: memref<128x128xf32, #tpu.memory_space<vmem>>, %arg5: memref<1x128xf32, #tpu.memory_space<vmem>>, %arg6: memref<1x128xf32, #tpu.memory_space<vmem>>, %arg7: memref<1x128xf32, #tpu.memory_space<vmem>>, %arg8: memref<1x1xf32, #tpu.memory_space<smem>>, %arg9: memref<2000x64xf32, #tpu.memory_space<vmem>>, %arg10: memref<2000x64xf32, #tpu.memory_space<vmem>>) attributes {dimension_semantics = [#tpu.dimension_semantics<arbitrary>], iteration_bounds = array<i64: 5>, scalar_prefetch = 0 : i64, scratch_operands = 0 : i64, tpu.core_type = #tpu.core_type<tc>, window_params = [{transform_indices = @transform_0, window_bounds = array<i64: 2000, 128>}, {transform_indices = @transform_1, window_bounds = array<i64: 1, 2000, 64>}, {transform_indices = @transform_2, window_bounds = array<i64: 1, 2000, 64>}, {pipeline_mode = #tpu.pipeline_mode<synchronous>, transform_indices = @transform_3, window_bounds = array<i64: 128, 128>}, {pipeline_mode = #tpu.pipeline_mode<synchronous>, transform_indices = @transform_4, window_bounds = array<i64: 1, 128>}, {pipeline_mode = #tpu.pipeline_mode<synchronous>, transform_indices = @transform_5, window_bounds = array<i64: 1, 128>}, {pipeline_mode = #tpu.pipeline_mode<synchronous>, transform_indices = @transform_6, window_bounds = array<i64: 1, 128>}, {transform_indices = @transform_7, window_bounds = array<i64: 1, 1>}, {transform_indices = @transform_8, window_bounds = array<i64: 2000, 64>}, {transform_indices = @transform_9, window_bounds = array<i64: 2000, 64>}]} {
    %get3A = arith.constant 0 : index
    %get3A_0 = arith.constant 0 : index
    %get3A_1 = arith.constant 0 : index
    %get3A_2 = vector.load %arg2[%get3A, %get3A_0, %get3A_1] : memref<1x2000x64xf32, #tpu.memory_space<vmem>>, vector<1x2000x64xf32>
    %get3A_3 = vector.shape_cast %get3A_2 : vector<1x2000x64xf32> to vector<2000x64xf32>
    %get3A_4 = arith.constant 0 : index
    %get3A_5 = arith.constant 0 : index
    %get3A_6 = arith.constant 0 : index
    %get3A_7 = vector.load %arg3[%get3A_4, %get3A_5, %get3A_6] : memref<1x2000x64xf32, #tpu.memory_space<vmem>>, vector<1x2000x64xf32>
    %get3A_8 = vector.shape_cast %get3A_7 : vector<1x2000x64xf32> to vector<2000x64xf32>
    %concatenate3A = tpu.concatenate %get3A_3, %get3A_8 in 1 : vector<2000x64xf32>, vector<2000x64xf32> -> vector<2000x128xf32>
    %get3A_9 = arith.constant 0 : index
    %get3A_10 = arith.constant 0 : index
    %get3A_11 = vector.load %arg1[%get3A_9, %get3A_10] : memref<2000x128xf32, #tpu.memory_space<vmem>>, vector<2000x128xf32>
    %get3A_12 = arith.constant 0 : index
    %get3A_13 = arith.constant 0 : index
    %get3A_14 = memref.load %arg8[%get3A_12, %get3A_13] : memref<1x1xf32, #tpu.memory_space<smem>>
    %mul3A = vector.broadcast %get3A_14 : f32 to vector<2000x128xf32>
    %mul3A_15 = arith.mulf %get3A_11, %mul3A : vector<2000x128xf32>
    %add3A = arith.addf %mul3A_15, %concatenate3A : vector<2000x128xf32>
    %get3A_16 = arith.constant 0 : index
    %get3A_17 = arith.constant 0 : index
    %get3A_18 = vector.load %arg4[%get3A_16, %get3A_17] : memref<128x128xf32, #tpu.memory_space<vmem>>, vector<128x128xf32>
    %dot_general3A = arith.constant dense<0.000000e+00> : vector<2000x128xf32>
    %dot_general3A_19 = tpu.matmul %add3A, %get3A_18, %dot_general3A {dimension_numbers = #tpu.dot_dimension_numbers<[1], [0], [0], [1], [0, 0, 1, 1], [], []>, transpose_lhs_hint = false} : vector<2000x128xf32>, vector<128x128xf32>, vector<2000x128xf32> -> vector<2000x128xf32>
    %get3A_20 = arith.constant 0 : index
    %get3A_21 = arith.constant 0 : index
    %get3A_22 = vector.load %arg5[%get3A_20, %get3A_21] : memref<1x128xf32, #tpu.memory_space<vmem>>, vector<1x128xf32>
    %add3A_23 = vector.broadcast %get3A_22 : vector<1x128xf32> to vector<2000x128xf32>
    %add3A_24 = arith.addf %dot_general3A_19, %add3A_23 : vector<2000x128xf32>
    %max3A = arith.constant 0.000000e+00 : f32
    %max3A_25 = vector.broadcast %max3A : f32 to vector<2000x128xf32>
    %max3A_26 = arith.maximumf %add3A_24, %max3A_25 : vector<2000x128xf32>
    %get3A_27 = arith.constant 0 : index
    %get3A_28 = arith.constant 0 : index
    %get3A_29 = vector.load %arg6[%get3A_27, %get3A_28] : memref<1x128xf32, #tpu.memory_space<vmem>>, vector<1x128xf32>
    %mul3A_30 = vector.broadcast %get3A_29 : vector<1x128xf32> to vector<2000x128xf32>
    %mul3A_31 = arith.mulf %max3A_26, %mul3A_30 : vector<2000x128xf32>
    %get3A_32 = arith.constant 0 : index
    %get3A_33 = arith.constant 0 : index
    %get3A_34 = vector.load %arg7[%get3A_32, %get3A_33] : memref<1x128xf32, #tpu.memory_space<vmem>>, vector<1x128xf32>
    %add3A_35 = vector.broadcast %get3A_34 : vector<1x128xf32> to vector<2000x128xf32>
    %add3A_36 = arith.addf %mul3A_31, %add3A_35 : vector<2000x128xf32>
    %max3A_37 = arith.constant 0.000000e+00 : f32
    %max3A_38 = vector.broadcast %max3A_37 : f32 to vector<2000x128xf32>
    %max3A_39 = arith.maximumf %add3A_36, %max3A_38 : vector<2000x128xf32>
    %slice3A = vector.extract_strided_slice %max3A_39 {offsets = [0, 0], sizes = [2000, 64], strides = [1, 1]} : vector<2000x128xf32> to vector<2000x64xf32>
    %swap3A = arith.constant 0 : index
    %swap3A_40 = arith.constant 0 : index
    %swap3A_41 = vector.load %arg9[%swap3A, %swap3A_40] : memref<2000x64xf32, #tpu.memory_space<vmem>>, vector<2000x64xf32>
    tpu.vector_store %arg9[%swap3A, %swap3A_40], %slice3A {strides = array<i32>} : memref<2000x64xf32, #tpu.memory_space<vmem>>, vector<2000x64xf32>,
    %slice3A_42 = vector.extract_strided_slice %max3A_39 {offsets = [0, 64], sizes = [2000, 64], strides = [1, 1]} : vector<2000x128xf32> to vector<2000x64xf32>
    %swap3A_43 = arith.constant 0 : index
    %swap3A_44 = arith.constant 0 : index
    %swap3A_45 = vector.load %arg10[%swap3A_43, %swap3A_44] : memref<2000x64xf32, #tpu.memory_space<vmem>>, vector<2000x64xf32>
    tpu.vector_store %arg10[%swap3A_43, %swap3A_44], %slice3A_42 {strides = array<i32>} : memref<2000x64xf32, #tpu.memory_space<vmem>>, vector<2000x64xf32>,
    return
  }
  func.func @transform_0(%arg0: i32) -> (i32, i32) {
    %c0_i32 = arith.constant 0 : i32
    %c0_i32_0 = arith.constant 0 : i32
    return %arg0, %c0_i32 : i32, i32
  }
  func.func @transform_1(%arg0: i32) -> (i32, i32, i32) {
    %c0_i32 = arith.constant 0 : i32
    %c0_i32_0 = arith.constant 0 : i32
    %c0_i32_1 = arith.constant 0 : i32
    return %c0_i32, %arg0, %c0_i32_0 : i32, i32, i32
  }
  func.func @transform_2(%arg0: i32) -> (i32, i32, i32) {
    %c1_i32 = arith.constant 1 : i32
    %c0_i32 = arith.constant 0 : i32
    %c0_i32_0 = arith.constant 0 : i32
    return %c1_i32, %arg0, %c0_i32 : i32, i32, i32
  }
  func.func @transform_3(%arg0: i32) -> (i32, i32) {
    %c0_i32 = arith.constant 0 : i32
    %c0_i32_0 = arith.constant 0 : i32
    %c0_i32_1 = arith.constant 0 : i32
    return %c0_i32, %c0_i32_0 : i32, i32
  }
  func.func @transform_4(%arg0: i32) -> (i32, i32) {
    %c0_i32 = arith.constant 0 : i32
    %c0_i32_0 = arith.constant 0 : i32
    %c0_i32_1 = arith.constant 0 : i32
    return %c0_i32, %c0_i32_0 : i32, i32
  }
  func.func @transform_5(%arg0: i32) -> (i32, i32) {
    %c0_i32 = arith.constant 0 : i32
    %c0_i32_0 = arith.constant 0 : i32
    %c0_i32_1 = arith.constant 0 : i32
    return %c0_i32, %c0_i32_0 : i32, i32
  }
  func.func @transform_6(%arg0: i32) -> (i32, i32) {
    %c0_i32 = arith.constant 0 : i32
    %c0_i32_0 = arith.constant 0 : i32
    %c0_i32_1 = arith.constant 0 : i32
    return %c0_i32, %c0_i32_0 : i32, i32
  }
  func.func @transform_7(%arg0: i32) -> (i32, i32) {
    %c0_i32 = arith.constant 0 : i32
    %c0_i32_0 = arith.constant 0 : i32
    %c0_i32_1 = arith.constant 0 : i32
    return %c0_i32, %c0_i32_0 : i32, i32
  }
  func.func @transform_8(%arg0: i32) -> (i32, i32) {
    %c0_i32 = arith.constant 0 : i32
    %c0_i32_0 = arith.constant 0 : i32
    return %arg0, %c0_i32 : i32, i32
  }
  func.func @transform_9(%arg0: i32) -> (i32, i32) {
    %c0_i32 = arith.constant 0 : i32
    %c0_i32_0 = arith.constant 0 : i32
    return %arg0, %c0_i32 : i32, i32
  }
}

module attributes {stable_mosaic.version = 14 : i64} {
  func.func @_l2_body(%arg0: i32, %arg1: memref<2000x64xf32, #tpu.memory_space<vmem>>, %arg2: memref<2000x64xf32, #tpu.memory_space<vmem>>, %arg3: memref<1x2000x64xf32, #tpu.memory_space<vmem>>, %arg4: memref<1x2000x64xf32, #tpu.memory_space<vmem>>, %arg5: memref<128x128xf32, #tpu.memory_space<vmem>>, %arg6: memref<1x128xf32, #tpu.memory_space<vmem>>, %arg7: memref<1x128xf32, #tpu.memory_space<vmem>>, %arg8: memref<1x128xf32, #tpu.memory_space<vmem>>, %arg9: memref<1x1xf32, #tpu.memory_space<smem>>, %arg10: memref<2000x128xi32, #tpu.memory_space<vmem>>, %arg11: memref<128x128xf32, #tpu.memory_space<vmem>>, %arg12: memref<1x128xf32, #tpu.memory_space<vmem>>, %arg13: memref<128x128xf32, #tpu.memory_space<vmem>>, %arg14: memref<1x128xf32, #tpu.memory_space<vmem>>, %arg15: memref<128x128xf32, #tpu.memory_space<vmem>>, %arg16: memref<1x128xf32, #tpu.memory_space<vmem>>, %arg17: memref<8x128xf32, #tpu.memory_space<vmem>>, %arg18: memref<8x128xf32, #tpu.memory_space<vmem>>) attributes {dimension_semantics = [#tpu.dimension_semantics<arbitrary>], iteration_bounds = array<i64: 5>, scalar_prefetch = 0 : i64, scratch_operands = 1 : i64, tpu.core_type = #tpu.core_type<tc>, window_params = [{transform_indices = @transform_0, window_bounds = array<i64: 2000, 64>}, {transform_indices = @transform_1, window_bounds = array<i64: 2000, 64>}, {transform_indices = @transform_2, window_bounds = array<i64: 1, 2000, 64>}, {transform_indices = @transform_3, window_bounds = array<i64: 1, 2000, 64>}, {pipeline_mode = #tpu.pipeline_mode<synchronous>, transform_indices = @transform_4, window_bounds = array<i64: 128, 128>}, {pipeline_mode = #tpu.pipeline_mode<synchronous>, transform_indices = @transform_5, window_bounds = array<i64: 1, 128>}, {pipeline_mode = #tpu.pipeline_mode<synchronous>, transform_indices = @transform_6, window_bounds = array<i64: 1, 128>}, {pipeline_mode = #tpu.pipeline_mode<synchronous>, transform_indices = @transform_7, window_bounds = array<i64: 1, 128>}, {transform_indices = @transform_8, window_bounds = array<i64: 1, 1>}, {transform_indices = @transform_9, window_bounds = array<i64: 2000, 128>}, {pipeline_mode = #tpu.pipeline_mode<synchronous>, transform_indices = @transform_10, window_bounds = array<i64: 128, 128>}, {pipeline_mode = #tpu.pipeline_mode<synchronous>, transform_indices = @transform_11, window_bounds = array<i64: 1, 128>}, {pipeline_mode = #tpu.pipeline_mode<synchronous>, transform_indices = @transform_12, window_bounds = array<i64: 128, 128>}, {pipeline_mode = #tpu.pipeline_mode<synchronous>, transform_indices = @transform_13, window_bounds = array<i64: 1, 128>}, {pipeline_mode = #tpu.pipeline_mode<synchronous>, transform_indices = @transform_14, window_bounds = array<i64: 128, 128>}, {pipeline_mode = #tpu.pipeline_mode<synchronous>, transform_indices = @transform_15, window_bounds = array<i64: 1, 128>}, {pipeline_mode = #tpu.pipeline_mode<synchronous>, transform_indices = @transform_16, window_bounds = array<i64: 8, 128>}]} {
    %eq3A = arith.constant 0 : i32
    %eq3A_0 = arith.cmpi eq, %arg0, %eq3A : i32
    %convert_element_type3A = arith.extui %eq3A_0 : i1 to i32
    %cond3A = arith.constant 0 : i32
    %cond3A_1 = arith.cmpi ne, %convert_element_type3A, %cond3A : i32
    scf.if %cond3A_1 {
      %broadcast_in_dim3A_129 = arith.constant 0xFF800000 : f32
      %broadcast_in_dim3A_130 = vector.broadcast %broadcast_in_dim3A_129 : f32 to vector<8x128xf32>
      %swap3A_131 = arith.constant 0 : index
      %swap3A_132 = arith.constant 0 : index
      %swap3A_133 = vector.load %arg18[%swap3A_131, %swap3A_132] : memref<8x128xf32, #tpu.memory_space<vmem>>, vector<8x128xf32>
      tpu.vector_store %arg18[%swap3A_131, %swap3A_132], %broadcast_in_dim3A_130 {strides = array<i32>} : memref<8x128xf32, #tpu.memory_space<vmem>>, vector<8x128xf32>,
    } else {
    }
    %get3A = arith.constant 0 : index
    %get3A_2 = arith.constant 0 : index
    %get3A_3 = vector.load %arg1[%get3A, %get3A_2] : memref<2000x64xf32, #tpu.memory_space<vmem>>, vector<2000x64xf32>
    %get3A_4 = arith.constant 0 : index
    %get3A_5 = arith.constant 0 : index
    %get3A_6 = vector.load %arg2[%get3A_4, %get3A_5] : memref<2000x64xf32, #tpu.memory_space<vmem>>, vector<2000x64xf32>
    %concatenate3A = tpu.concatenate %get3A_3, %get3A_6 in 1 : vector<2000x64xf32>, vector<2000x64xf32> -> vector<2000x128xf32>
    %get3A_7 = arith.constant 0 : index
    %get3A_8 = arith.constant 0 : index
    %get3A_9 = arith.constant 0 : index
    %get3A_10 = vector.load %arg3[%get3A_7, %get3A_8, %get3A_9] : memref<1x2000x64xf32, #tpu.memory_space<vmem>>, vector<1x2000x64xf32>
    %get3A_11 = vector.shape_cast %get3A_10 : vector<1x2000x64xf32> to vector<2000x64xf32>
    %get3A_12 = arith.constant 0 : index
    %get3A_13 = arith.constant 0 : index
    %get3A_14 = arith.constant 0 : index
    %get3A_15 = vector.load %arg4[%get3A_12, %get3A_13, %get3A_14] : memref<1x2000x64xf32, #tpu.memory_space<vmem>>, vector<1x2000x64xf32>
    %get3A_16 = vector.shape_cast %get3A_15 : vector<1x2000x64xf32> to vector<2000x64xf32>
    %concatenate3A_17 = tpu.concatenate %get3A_11, %get3A_16 in 1 : vector<2000x64xf32>, vector<2000x64xf32> -> vector<2000x128xf32>
    %get3A_18 = arith.constant 0 : index
    %get3A_19 = arith.constant 0 : index
    %get3A_20 = memref.load %arg9[%get3A_18, %get3A_19] : memref<1x1xf32, #tpu.memory_space<smem>>
    %mul3A = vector.broadcast %get3A_20 : f32 to vector<2000x128xf32>
    %mul3A_21 = arith.mulf %concatenate3A, %mul3A : vector<2000x128xf32>
    %add3A = arith.addf %mul3A_21, %concatenate3A_17 : vector<2000x128xf32>
    %get3A_22 = arith.constant 0 : index
    %get3A_23 = arith.constant 0 : index
    %get3A_24 = vector.load %arg5[%get3A_22, %get3A_23] : memref<128x128xf32, #tpu.memory_space<vmem>>, vector<128x128xf32>
    %dot_general3A = arith.constant dense<0.000000e+00> : vector<2000x128xf32>
    %dot_general3A_25 = tpu.matmul %add3A, %get3A_24, %dot_general3A {dimension_numbers = #tpu.dot_dimension_numbers<[1], [0], [0], [1], [0, 0, 1, 1], [], []>, transpose_lhs_hint = false} : vector<2000x128xf32>, vector<128x128xf32>, vector<2000x128xf32> -> vector<2000x128xf32>
    %get3A_26 = arith.constant 0 : index
    %get3A_27 = arith.constant 0 : index
    %get3A_28 = vector.load %arg6[%get3A_26, %get3A_27] : memref<1x128xf32, #tpu.memory_space<vmem>>, vector<1x128xf32>
    %add3A_29 = vector.broadcast %get3A_28 : vector<1x128xf32> to vector<2000x128xf32>
    %add3A_30 = arith.addf %dot_general3A_25, %add3A_29 : vector<2000x128xf32>
    %max3A = arith.constant 0.000000e+00 : f32
    %max3A_31 = vector.broadcast %max3A : f32 to vector<2000x128xf32>
    %max3A_32 = arith.maximumf %add3A_30, %max3A_31 : vector<2000x128xf32>
    %get3A_33 = arith.constant 0 : index
    %get3A_34 = arith.constant 0 : index
    %get3A_35 = vector.load %arg7[%get3A_33, %get3A_34] : memref<1x128xf32, #tpu.memory_space<vmem>>, vector<1x128xf32>
    %mul3A_36 = vector.broadcast %get3A_35 : vector<1x128xf32> to vector<2000x128xf32>
    %mul3A_37 = arith.mulf %max3A_32, %mul3A_36 : vector<2000x128xf32>
    %get3A_38 = arith.constant 0 : index
    %get3A_39 = arith.constant 0 : index
    %get3A_40 = vector.load %arg8[%get3A_38, %get3A_39] : memref<1x128xf32, #tpu.memory_space<vmem>>, vector<1x128xf32>
    %add3A_41 = vector.broadcast %get3A_40 : vector<1x128xf32> to vector<2000x128xf32>
    %add3A_42 = arith.addf %mul3A_37, %add3A_41 : vector<2000x128xf32>
    %max3A_43 = arith.constant 0.000000e+00 : f32
    %max3A_44 = vector.broadcast %max3A_43 : f32 to vector<2000x128xf32>
    %max3A_45 = arith.maximumf %add3A_42, %max3A_44 : vector<2000x128xf32>
    %get3A_46 = arith.constant 0 : index
    %get3A_47 = arith.constant 0 : index
    %get3A_48 = vector.load %arg10[%get3A_46, %get3A_47] : memref<2000x128xi32, #tpu.memory_space<vmem>>, vector<2000x128xi32>
    %eq3A_49 = arith.constant 0 : i32
    %eq3A_50 = vector.broadcast %eq3A_49 : i32 to vector<2000x128xi32>
    %eq3A_51 = arith.cmpi eq, %get3A_48, %eq3A_50 : vector<2000x128xi32>
    %jit3A = arith.constant 0xFF800000 : f32
    %broadcast_in_dim3A = vector.broadcast %jit3A : f32 to vector<2000x128xf32>
    %select_n3A = arith.select %eq3A_51, %max3A_45, %broadcast_in_dim3A : vector<2000x128xi1>, vector<2000x128xf32>
    %reduce_max3A = arith.constant dense<0xFF800000> : vector<128xf32>
    %reduce_max3A_52 = vector.multi_reduction <maximumf>, %select_n3A, %reduce_max3A [0] : vector<2000x128xf32> to vector<128xf32>
    %broadcast_in_dim3A_53 = vector.shape_cast %reduce_max3A_52 : vector<128xf32> to vector<1x128xf32>
    %eq3A_54 = arith.constant 1 : i32
    %eq3A_55 = vector.broadcast %eq3A_54 : i32 to vector<2000x128xi32>
    %eq3A_56 = arith.cmpi eq, %get3A_48, %eq3A_55 : vector<2000x128xi32>
    %jit3A_57 = arith.constant 0xFF800000 : f32
    %broadcast_in_dim3A_58 = vector.broadcast %jit3A_57 : f32 to vector<2000x128xf32>
    %select_n3A_59 = arith.select %eq3A_56, %max3A_45, %broadcast_in_dim3A_58 : vector<2000x128xi1>, vector<2000x128xf32>
    %reduce_max3A_60 = arith.constant dense<0xFF800000> : vector<128xf32>
    %reduce_max3A_61 = vector.multi_reduction <maximumf>, %select_n3A_59, %reduce_max3A_60 [0] : vector<2000x128xf32> to vector<128xf32>
    %broadcast_in_dim3A_62 = vector.shape_cast %reduce_max3A_61 : vector<128xf32> to vector<1x128xf32>
    %eq3A_63 = arith.constant 2 : i32
    %eq3A_64 = vector.broadcast %eq3A_63 : i32 to vector<2000x128xi32>
    %eq3A_65 = arith.cmpi eq, %get3A_48, %eq3A_64 : vector<2000x128xi32>
    %jit3A_66 = arith.constant 0xFF800000 : f32
    %broadcast_in_dim3A_67 = vector.broadcast %jit3A_66 : f32 to vector<2000x128xf32>
    %select_n3A_68 = arith.select %eq3A_65, %max3A_45, %broadcast_in_dim3A_67 : vector<2000x128xi1>, vector<2000x128xf32>
    %reduce_max3A_69 = arith.constant dense<0xFF800000> : vector<128xf32>
    %reduce_max3A_70 = vector.multi_reduction <maximumf>, %select_n3A_68, %reduce_max3A_69 [0] : vector<2000x128xf32> to vector<128xf32>
    %broadcast_in_dim3A_71 = vector.shape_cast %reduce_max3A_70 : vector<128xf32> to vector<1x128xf32>
    %eq3A_72 = arith.constant 3 : i32
    %eq3A_73 = vector.broadcast %eq3A_72 : i32 to vector<2000x128xi32>
    %eq3A_74 = arith.cmpi eq, %get3A_48, %eq3A_73 : vector<2000x128xi32>
    %jit3A_75 = arith.constant 0xFF800000 : f32
    %broadcast_in_dim3A_76 = vector.broadcast %jit3A_75 : f32 to vector<2000x128xf32>
    %select_n3A_77 = arith.select %eq3A_74, %max3A_45, %broadcast_in_dim3A_76 : vector<2000x128xi1>, vector<2000x128xf32>
    %reduce_max3A_78 = arith.constant dense<0xFF800000> : vector<128xf32>
    %reduce_max3A_79 = vector.multi_reduction <maximumf>, %select_n3A_77, %reduce_max3A_78 [0] : vector<2000x128xf32> to vector<128xf32>
    %broadcast_in_dim3A_80 = vector.shape_cast %reduce_max3A_79 : vector<128xf32> to vector<1x128xf32>
    %eq3A_81 = arith.constant 4 : i32
    %eq3A_82 = vector.broadcast %eq3A_81 : i32 to vector<2000x128xi32>
    %eq3A_83 = arith.cmpi eq, %get3A_48, %eq3A_82 : vector<2000x128xi32>
    %jit3A_84 = arith.constant 0xFF800000 : f32
    %broadcast_in_dim3A_85 = vector.broadcast %jit3A_84 : f32 to vector<2000x128xf32>
    %select_n3A_86 = arith.select %eq3A_83, %max3A_45, %broadcast_in_dim3A_85 : vector<2000x128xi1>, vector<2000x128xf32>
    %reduce_max3A_87 = arith.constant dense<0xFF800000> : vector<128xf32>
    %reduce_max3A_88 = vector.multi_reduction <maximumf>, %select_n3A_86, %reduce_max3A_87 [0] : vector<2000x128xf32> to vector<128xf32>
    %broadcast_in_dim3A_89 = vector.shape_cast %reduce_max3A_88 : vector<128xf32> to vector<1x128xf32>
    %eq3A_90 = arith.constant 5 : i32
    %eq3A_91 = vector.broadcast %eq3A_90 : i32 to vector<2000x128xi32>
    %eq3A_92 = arith.cmpi eq, %get3A_48, %eq3A_91 : vector<2000x128xi32>
    %jit3A_93 = arith.constant 0xFF800000 : f32
    %broadcast_in_dim3A_94 = vector.broadcast %jit3A_93 : f32 to vector<2000x128xf32>
    %select_n3A_95 = arith.select %eq3A_92, %max3A_45, %broadcast_in_dim3A_94 : vector<2000x128xi1>, vector<2000x128xf32>
    %reduce_max3A_96 = arith.constant dense<0xFF800000> : vector<128xf32>
    %reduce_max3A_97 = vector.multi_reduction <maximumf>, %select_n3A_95, %reduce_max3A_96 [0] : vector<2000x128xf32> to vector<128xf32>
    %broadcast_in_dim3A_98 = vector.shape_cast %reduce_max3A_97 : vector<128xf32> to vector<1x128xf32>
    %eq3A_99 = arith.constant 6 : i32
    %eq3A_100 = vector.broadcast %eq3A_99 : i32 to vector<2000x128xi32>
    %eq3A_101 = arith.cmpi eq, %get3A_48, %eq3A_100 : vector<2000x128xi32>
    %jit3A_102 = arith.constant 0xFF800000 : f32
    %broadcast_in_dim3A_103 = vector.broadcast %jit3A_102 : f32 to vector<2000x128xf32>
    %select_n3A_104 = arith.select %eq3A_101, %max3A_45, %broadcast_in_dim3A_103 : vector<2000x128xi1>, vector<2000x128xf32>
    %reduce_max3A_105 = arith.constant dense<0xFF800000> : vector<128xf32>
    %reduce_max3A_106 = vector.multi_reduction <maximumf>, %select_n3A_104, %reduce_max3A_105 [0] : vector<2000x128xf32> to vector<128xf32>
    %broadcast_in_dim3A_107 = vector.shape_cast %reduce_max3A_106 : vector<128xf32> to vector<1x128xf32>
    %eq3A_108 = arith.constant 7 : i32
    %eq3A_109 = vector.broadcast %eq3A_108 : i32 to vector<2000x128xi32>
    %eq3A_110 = arith.cmpi eq, %get3A_48, %eq3A_109 : vector<2000x128xi32>
    %jit3A_111 = arith.constant 0xFF800000 : f32
    %broadcast_in_dim3A_112 = vector.broadcast %jit3A_111 : f32 to vector<2000x128xf32>
    %select_n3A_113 = arith.select %eq3A_110, %max3A_45, %broadcast_in_dim3A_112 : vector<2000x128xi1>, vector<2000x128xf32>
    %reduce_max3A_114 = arith.constant dense<0xFF800000> : vector<128xf32>
    %reduce_max3A_115 = vector.multi_reduction <maximumf>, %select_n3A_113, %reduce_max3A_114 [0] : vector<2000x128xf32> to vector<128xf32>
    %broadcast_in_dim3A_116 = vector.shape_cast %reduce_max3A_115 : vector<128xf32> to vector<1x128xf32>
    %get3A_117 = arith.constant 0 : index
    %get3A_118 = arith.constant 0 : index
    %get3A_119 = vector.load %arg18[%get3A_117, %get3A_118] : memref<8x128xf32, #tpu.memory_space<vmem>>, vector<8x128xf32>
    %concatenate3A_120 = tpu.concatenate %broadcast_in_dim3A_53, %broadcast_in_dim3A_62, %broadcast_in_dim3A_71, %broadcast_in_dim3A_80, %broadcast_in_dim3A_89, %broadcast_in_dim3A_98, %broadcast_in_dim3A_107, %broadcast_in_dim3A_116 in 0 : vector<1x128xf32>, vector<1x128xf32>, vector<1x128xf32>, vector<1x128xf32>, vector<1x128xf32>, vector<1x128xf32>, vector<1x128xf32>, vector<1x128xf32> -> vector<8x128xf32>
    %max3A_121 = arith.maximumf %get3A_119, %concatenate3A_120 : vector<8x128xf32>
    %swap3A = arith.constant 0 : index
    %swap3A_122 = arith.constant 0 : index
    %swap3A_123 = vector.load %arg18[%swap3A, %swap3A_122] : memref<8x128xf32, #tpu.memory_space<vmem>>, vector<8x128xf32>
    tpu.vector_store %arg18[%swap3A, %swap3A_122], %max3A_121 {strides = array<i32>} : memref<8x128xf32, #tpu.memory_space<vmem>>, vector<8x128xf32>,
    %eq3A_124 = arith.constant 4 : i32
    %eq3A_125 = arith.cmpi eq, %arg0, %eq3A_124 : i32
    %convert_element_type3A_126 = arith.extui %eq3A_125 : i1 to i32
    %cond3A_127 = arith.constant 0 : i32
    %cond3A_128 = arith.cmpi ne, %convert_element_type3A_126, %cond3A_127 : i32
    scf.if %cond3A_128 {
      %get3A_129 = arith.constant 0 : index
      %get3A_130 = arith.constant 0 : index
      %get3A_131 = vector.load %arg18[%get3A_129, %get3A_130] : memref<8x128xf32, #tpu.memory_space<vmem>>, vector<8x128xf32>
      %get3A_132 = arith.constant 0 : index
      %get3A_133 = arith.constant 0 : index
      %get3A_134 = vector.load %arg11[%get3A_132, %get3A_133] : memref<128x128xf32, #tpu.memory_space<vmem>>, vector<128x128xf32>
      %dot_general3A_135 = arith.constant dense<0.000000e+00> : vector<8x128xf32>
      %dot_general3A_136 = tpu.matmul %get3A_131, %get3A_134, %dot_general3A_135 {dimension_numbers = #tpu.dot_dimension_numbers<[1], [0], [0], [1], [0, 0, 1, 1], [], []>, transpose_lhs_hint = false} : vector<8x128xf32>, vector<128x128xf32>, vector<8x128xf32> -> vector<8x128xf32>
      %get3A_137 = arith.constant 0 : index
      %get3A_138 = arith.constant 0 : index
      %get3A_139 = vector.load %arg12[%get3A_137, %get3A_138] : memref<1x128xf32, #tpu.memory_space<vmem>>, vector<1x128xf32>
      %add3A_140 = vector.broadcast %get3A_139 : vector<1x128xf32> to vector<8x128xf32>
      %add3A_141 = arith.addf %dot_general3A_136, %add3A_140 : vector<8x128xf32>
      %max3A_142 = arith.constant 0.000000e+00 : f32
      %max3A_143 = vector.broadcast %max3A_142 : f32 to vector<8x128xf32>
      %max3A_144 = arith.maximumf %add3A_141, %max3A_143 : vector<8x128xf32>
      %get3A_145 = arith.constant 0 : index
      %get3A_146 = arith.constant 0 : index
      %get3A_147 = vector.load %arg13[%get3A_145, %get3A_146] : memref<128x128xf32, #tpu.memory_space<vmem>>, vector<128x128xf32>
      %dot_general3A_148 = arith.constant dense<0.000000e+00> : vector<8x128xf32>
      %dot_general3A_149 = tpu.matmul %max3A_144, %get3A_147, %dot_general3A_148 {dimension_numbers = #tpu.dot_dimension_numbers<[1], [0], [0], [1], [0, 0, 1, 1], [], []>, transpose_lhs_hint = false} : vector<8x128xf32>, vector<128x128xf32>, vector<8x128xf32> -> vector<8x128xf32>
      %get3A_150 = arith.constant 0 : index
      %get3A_151 = arith.constant 0 : index
      %get3A_152 = vector.load %arg14[%get3A_150, %get3A_151] : memref<1x128xf32, #tpu.memory_space<vmem>>, vector<1x128xf32>
      %add3A_153 = vector.broadcast %get3A_152 : vector<1x128xf32> to vector<8x128xf32>
      %add3A_154 = arith.addf %dot_general3A_149, %add3A_153 : vector<8x128xf32>
      %max3A_155 = arith.constant 0.000000e+00 : f32
      %max3A_156 = vector.broadcast %max3A_155 : f32 to vector<8x128xf32>
      %max3A_157 = arith.maximumf %add3A_154, %max3A_156 : vector<8x128xf32>
      %get3A_158 = arith.constant 0 : index
      %get3A_159 = arith.constant 0 : index
      %get3A_160 = vector.load %arg15[%get3A_158, %get3A_159] : memref<128x128xf32, #tpu.memory_space<vmem>>, vector<128x128xf32>
      %dot_general3A_161 = arith.constant dense<0.000000e+00> : vector<8x128xf32>
      %dot_general3A_162 = tpu.matmul %max3A_157, %get3A_160, %dot_general3A_161 {dimension_numbers = #tpu.dot_dimension_numbers<[1], [0], [0], [1], [0, 0, 1, 1], [], []>, transpose_lhs_hint = false} : vector<8x128xf32>, vector<128x128xf32>, vector<8x128xf32> -> vector<8x128xf32>
      %get3A_163 = arith.constant 0 : index
      %get3A_164 = arith.constant 0 : index
      %get3A_165 = vector.load %arg16[%get3A_163, %get3A_164] : memref<1x128xf32, #tpu.memory_space<vmem>>, vector<1x128xf32>
      %add3A_166 = vector.broadcast %get3A_165 : vector<1x128xf32> to vector<8x128xf32>
      %add3A_167 = arith.addf %dot_general3A_162, %add3A_166 : vector<8x128xf32>
      %reduce_max3A_168 = arith.constant dense<0xFF800000> : vector<8xf32>
      %reduce_max3A_169 = vector.multi_reduction <maximumf>, %add3A_167, %reduce_max3A_168 [1] : vector<8x128xf32> to vector<8xf32>
      %broadcast_in_dim3A_170 = vector.shape_cast %reduce_max3A_169 : vector<8xf32> to vector<8x1xf32>
      %sub3A = vector.broadcast %broadcast_in_dim3A_170 : vector<8x1xf32> to vector<8x128xf32>
      %sub3A_171 = arith.subf %add3A_167, %sub3A : vector<8x128xf32>
      %exp3A = math.exp %sub3A_171 : vector<8x128xf32>
      %reduce_sum3A = arith.constant dense<0.000000e+00> : vector<8xf32>
      %reduce_sum3A_172 = vector.multi_reduction <add>, %exp3A, %reduce_sum3A [1] : vector<8x128xf32> to vector<8xf32>
      %broadcast_in_dim3A_173 = vector.shape_cast %reduce_sum3A_172 : vector<8xf32> to vector<8x1xf32>
      %div3A = vector.broadcast %broadcast_in_dim3A_173 : vector<8x1xf32> to vector<8x128xf32>
      %div3A_174 = arith.divf %exp3A, %div3A : vector<8x128xf32>
      %swap3A_175 = arith.constant 0 : index
      %swap3A_176 = arith.constant 0 : index
      %swap3A_177 = vector.load %arg17[%swap3A_175, %swap3A_176] : memref<8x128xf32, #tpu.memory_space<vmem>>, vector<8x128xf32>
      tpu.vector_store %arg17[%swap3A_175, %swap3A_176], %div3A_174 {strides = array<i32>} : memref<8x128xf32, #tpu.memory_space<vmem>>, vector<8x128xf32>,
    } else {
    }
    return
  }
  func.func @transform_0(%arg0: i32) -> (i32, i32) {
    %c0_i32 = arith.constant 0 : i32
    %c0_i32_0 = arith.constant 0 : i32
    return %arg0, %c0_i32 : i32, i32
  }
  func.func @transform_1(%arg0: i32) -> (i32, i32) {
    %c0_i32 = arith.constant 0 : i32
    %c0_i32_0 = arith.constant 0 : i32
    return %arg0, %c0_i32 : i32, i32
  }
  func.func @transform_2(%arg0: i32) -> (i32, i32, i32) {
    %c0_i32 = arith.constant 0 : i32
    %c0_i32_0 = arith.constant 0 : i32
    %c0_i32_1 = arith.constant 0 : i32
    return %c0_i32, %arg0, %c0_i32_0 : i32, i32, i32
  }
  func.func @transform_3(%arg0: i32) -> (i32, i32, i32) {
    %c1_i32 = arith.constant 1 : i32
    %c0_i32 = arith.constant 0 : i32
    %c0_i32_0 = arith.constant 0 : i32
    return %c1_i32, %arg0, %c0_i32 : i32, i32, i32
  }
  func.func @transform_4(%arg0: i32) -> (i32, i32) {
    %c0_i32 = arith.constant 0 : i32
    %c0_i32_0 = arith.constant 0 : i32
    %c0_i32_1 = arith.constant 0 : i32
    return %c0_i32, %c0_i32_0 : i32, i32
  }
  func.func @transform_5(%arg0: i32) -> (i32, i32) {
    %c0_i32 = arith.constant 0 : i32
    %c0_i32_0 = arith.constant 0 : i32
    %c0_i32_1 = arith.constant 0 : i32
    return %c0_i32, %c0_i32_0 : i32, i32
  }
  func.func @transform_6(%arg0: i32) -> (i32, i32) {
    %c0_i32 = arith.constant 0 : i32
    %c0_i32_0 = arith.constant 0 : i32
    %c0_i32_1 = arith.constant 0 : i32
    return %c0_i32, %c0_i32_0 : i32, i32
  }
  func.func @transform_7(%arg0: i32) -> (i32, i32) {
    %c0_i32 = arith.constant 0 : i32
    %c0_i32_0 = arith.constant 0 : i32
    %c0_i32_1 = arith.constant 0 : i32
    return %c0_i32, %c0_i32_0 : i32, i32
  }
  func.func @transform_8(%arg0: i32) -> (i32, i32) {
    %c0_i32 = arith.constant 0 : i32
    %c0_i32_0 = arith.constant 0 : i32
    %c0_i32_1 = arith.constant 0 : i32
    return %c0_i32, %c0_i32_0 : i32, i32
  }
  func.func @transform_9(%arg0: i32) -> (i32, i32) {
    %c0_i32 = arith.constant 0 : i32
    %c0_i32_0 = arith.constant 0 : i32
    return %arg0, %c0_i32 : i32, i32
  }
  func.func @transform_10(%arg0: i32) -> (i32, i32) {
    %c0_i32 = arith.constant 0 : i32
    %c0_i32_0 = arith.constant 0 : i32
    %c0_i32_1 = arith.constant 0 : i32
    return %c0_i32, %c0_i32_0 : i32, i32
  }
  func.func @transform_11(%arg0: i32) -> (i32, i32) {
    %c0_i32 = arith.constant 0 : i32
    %c0_i32_0 = arith.constant 0 : i32
    %c0_i32_1 = arith.constant 0 : i32
    return %c0_i32, %c0_i32_0 : i32, i32
  }
  func.func @transform_12(%arg0: i32) -> (i32, i32) {
    %c0_i32 = arith.constant 0 : i32
    %c0_i32_0 = arith.constant 0 : i32
    %c0_i32_1 = arith.constant 0 : i32
    return %c0_i32, %c0_i32_0 : i32, i32
  }
  func.func @transform_13(%arg0: i32) -> (i32, i32) {
    %c0_i32 = arith.constant 0 : i32
    %c0_i32_0 = arith.constant 0 : i32
    %c0_i32_1 = arith.constant 0 : i32
    return %c0_i32, %c0_i32_0 : i32, i32
  }
  func.func @transform_14(%arg0: i32) -> (i32, i32) {
    %c0_i32 = arith.constant 0 : i32
    %c0_i32_0 = arith.constant 0 : i32
    %c0_i32_1 = arith.constant 0 : i32
    return %c0_i32, %c0_i32_0 : i32, i32
  }
  func.func @transform_15(%arg0: i32) -> (i32, i32) {
    %c0_i32 = arith.constant 0 : i32
    %c0_i32_0 = arith.constant 0 : i32
    %c0_i32_1 = arith.constant 0 : i32
    return %c0_i32, %c0_i32_0 : i32, i32
  }
  func.func @transform_16(%arg0: i32) -> (i32, i32) {
    %c0_i32 = arith.constant 0 : i32
    %c0_i32_0 = arith.constant 0 : i32
    %c0_i32_1 = arith.constant 0 : i32
    return %c0_i32, %c0_i32_0 : i32, i32
  }
}

</mosaic_0001>

<sc_bundles>
// kernel: kernel.6.cloned.1.call-start
scs
__scs_entry_jumppad:
0x0: {  	(pc) =	sbr.rel $0x88, $3  }
0x1: {  	(tag) =	ssettag $0x0;
	lr =	simm.s32 $0x1  }
0x2: {  	[smem:$0x3F8A] =	sst lr;
	_ =	strace $0xD0000000  }
0x3: {  	_ = 	snop  }
0x4: {  	_ = 	snop  }
0x5: {  	_ = 	snop  }
0x6: {  	_ = 	snop  }
0x7: {  	_ = 	snop  }
__scs_overlays_trampoline_lowered:
0x8: {  	[smem:$0x3F99] =	sst s0  }
0x9: {  	[smem:$0x3F9A] =	sst s1  }
0xa: {  	[smem:$0x3F9B] =	sst s2  }
0xb: {  	[smem:$0x3F9C] =	sst s3  }
0xc: {  	[smem:$0x3F9D] =	sst s4  }
0xd: {  	[smem:$0x3F9E] =	sst s5  }
0xe: {  	[smem:$0x3F9F] =	sst s6  }
0xf: {  	[smem:$0x3FA0] =	sst s7  }
0x10: {  	[smem:$0x3FA1] =	sst s8  }
0x11: {  	[smem:$0x3FA2] =	sst s9;
	s0 =	simm.s32 @!p0 $0x0  }
0x12: {  	s1 =	sld [smem:$0x3F88];
	s0 =	simm.s32 @p0 $0x1  }
0x13: {  	[smem:$0x3FA3] =	sst s0;
	s0 =	simm.s32 @!p1 $0x0  }
0x14: {  	s2 =	sld [smem:$0x3F87];
	s0 =	simm.s32 @p1 $0x1  }
0x15: {  	[smem:$0x3FA4] =	sst s0;
	s0 =	simm.s32 @!p2 $0x0  }
0x16: {  	s3 =	sld [smem:$0x3FDB];
	s0 =	simm.s32 @p2 $0x1  }
0x17: {  	s4 =	simm.s32 $0x1BF5;
	[smem:$0x3FA6] =	sst s0  }
0x18: {  	s0 =	sld [smem:$0x3F89];
	_ =	swait.ge [sflag:s4], $0x0  }
0x19: {  	s7 =	sld [smem:$0x3F8A]  }
0x1a: {  	s8 =	sadd.s32 $0xFFFFE003, lr  }
0x1b: {  	s9 =	sadd.s32 $0xFFFFFEF7, lr;
	s5 =	simm.s32 $0xFFFFFFFF;
	p2 =	slt.u32 s8, $0xFFFFF086  }
0x1c: {  	p1 =	slt.u32 s9, $0xF7A;
	s5 =	simm.s32 @!p2 $0x0  }
0x1d: {  	s5 =	simm.s32 @p1 $0x1;
	p0 =	seq.s32 s7, s2  }
0x1e: {  	s7 =	smul.u32 @!p0 $0xF7A, s2;
	p2 =	seq.s32 @!p0 s5, $0x0  }
0x1f: {  	s9 =	smul.u32 $0xF7A, s1;
	s8 =	simm.s32 @!p0 $0x1BF5;
	p2 =	por !p2, p0  }
0x20: {  	[sflag:s8] =	ssyncset.s32 @!p0 $0xFFFFF086;
	s6 =	sadd.s32 @!p0 s3, s7;
	s7 =	simm.s32 @!p0 $0x108  }
0x21: {  	s3 =	sadd.s32 s3, s9;
	s6 =	sadd.s32 @!p0 $0x88, s6;
	s7 =	simm.s32 @p2 $0x1082  }
0x22: {  	[simem:s7], [sflag:s8] =	dma.local @!p0 [hbm:s6], $0xF7A  }
0x23: {  	s9 =	sor.u32 $0xD0000000, s2;
	s6 =	simm.s32 $0x108;
	_ =	swait.ge @!p0 [sflag:s8], $0x0  }
0x24: {  	s3 =	sadd.s32 $0x88, s3;
	s6 =	simm.s32 @!p1 $0x1082;
	[sflag:s4] =	ssyncset.s32 $0xFFFFF086  }
0x25: {  	[simem:s6], [sflag:s4] =	dma.local [hbm:s3], $0xF7A  }
0x26: {  	[smem:$0x3F8A] =	sst s1;
	(tag) =	ssettag s2;
	_ =	strace s9  }
0x27: {  	s1 =	sld [smem:$0x3F9A]  }
0x28: {  	s2 =	sld [smem:$0x3F9B]  }
0x29: {  	s4 =	sld [smem:$0x3F9D]  }
0x2a: {  	p0 =	seq.s32 s5, $0x0;
	s5 =	sld [smem:$0x3F9E]  }
0x2b: {  	s6 =	sld [smem:$0x3F9F]  }
0x2c: {  	s7 =	sld [smem:$0x3FA0]  }
0x2d: {  	s3 =	simm.s32 $0x108;
	s8 =	sld [smem:$0x3FA1]  }
0x2e: {  	s3 =	simm.s32 @!p0 $0x1082;
	s9 =	sld [smem:$0x3FA2]  }
0x2f: {  	lr =	sadd.s32 s0, s3;
	s0 =	sld [smem:$0x3F99]  }
0x30: {  	s3 =	sld [smem:$0x3F9C]  }
0x31: {  	[smem:$0x3FA5] =	sst s10  }
0x32: {  	s10 =	sld [smem:$0x3FA3];
	_ =	sdelay $0x3  }
0x33: {  	p0 =	seq.s32 s10, $0x1;
	s10 =	sld [smem:$0x3FA5];
	_ =	sdelay $0x3  }
0x34: {  	[smem:$0x3FA5] =	sst s10  }
0x35: {  	s10 =	sld [smem:$0x3FA4];
	_ =	sdelay $0x3  }
0x36: {  	p1 =	seq.s32 s10, $0x1;
	s10 =	sld [smem:$0x3FA5];
	_ =	sdelay $0x3  }
0x37: {  	[smem:$0x3FA5] =	sst s10  }
0x38: {  	s10 =	sld [smem:$0x3FA6]  }
0x39: {  	_ = 	snop;
	(pc) =	sbr.ind lr, $3  }
0x3a: {  	_ = 	snop  }
0x3b: {  	_ = 	snop  }
0x3c: {  	p2 =	seq.s32 s10, $0x1;
	s10 =	sld [smem:$0x3FA5]  }
0x3d: {  	_ =	shalt  }
0x3e: {  	_ =	shalt  }
0x3f: {  	_ =	shalt  }
0x40: {  	_ =	shalt  }
0x41: {  	_ =	shalt  }
0x42: {  	_ =	shalt  }
0x43: {  	_ =	shalt  }
0x44: {  	_ =	shalt  }
0x45: {  	_ =	shalt  }
0x46: {  	_ =	shalt  }
0x47: {  	_ =	shalt  }
0x48: {  	_ =	shalt  }
0x49: {  	_ =	shalt  }
0x4a: {  	_ =	shalt  }
0x4b: {  	_ =	shalt  }
0x4c: {  	_ =	shalt  }
0x4d: {  	_ =	shalt  }
0x4e: {  	_ =	shalt  }
0x4f: {  	_ =	shalt  }
0x50: {  	_ =	shalt  }
0x51: {  	_ =	shalt  }
0x52: {  	_ =	shalt  }
0x53: {  	_ =	shalt  }
0x54: {  	_ =	shalt  }
0x55: {  	_ =	shalt  }
0x56: {  	_ =	shalt  }
0x57: {  	_ =	shalt  }
0x58: {  	_ =	shalt  }
0x59: {  	_ =	shalt  }
0x5a: {  	_ =	shalt  }
0x5b: {  	_ =	shalt  }
0x5c: {  	_ =	shalt  }
0x5d: {  	_ =	shalt  }
0x5e: {  	_ =	shalt  }
0x5f: {  	_ =	shalt  }
0x60: {  	_ =	shalt  }
0x61: {  	_ =	shalt  }
0x62: {  	_ =	shalt  }
0x63: {  	_ =	shalt  }
0x64: {  	_ =	shalt  }
0x65: {  	_ =	shalt  }
0x66: {  	_ =	shalt  }
0x67: {  	_ =	shalt  }
0x68: {  	_ =	shalt  }
0x69: {  	_ =	shalt  }
0x6a: {  	_ =	shalt  }
0x6b: {  	_ =	shalt  }
0x6c: {  	_ =	shalt  }
0x6d: {  	_ =	shalt  }
0x6e: {  	_ =	shalt  }
0x6f: {  	_ =	shalt  }
0x70: {  	_ =	shalt  }
0x71: {  	_ =	shalt  }
0x72: {  	_ =	shalt  }
0x73: {  	_ =	shalt  }
0x74: {  	_ =	shalt  }
0x75: {  	_ =	shalt  }
0x76: {  	_ =	shalt  }
0x77: {  	_ =	shalt  }
0x78: {  	_ =	shalt  }
0x79: {  	_ =	shalt  }
0x7a: {  	_ =	shalt  }
0x7b: {  	_ =	shalt  }
0x7c: {  	_ =	shalt  }
0x7d: {  	_ =	shalt  }
0x7e: {  	_ =	shalt  }
0x7f: {  	_ =	shalt  }
0x80: {  	_ =	shalt  }
0x81: {  	_ =	shalt  }
0x82: {  	_ =	shalt  }
0x83: {  	_ =	shalt  }
0x84: {  	_ =	shalt  }
0x85: {  	_ =	shalt  }
0x86: {  	_ =	shalt  }
0x87: {  	_ =	shalt  }
.Lfunc_end0:
.L_simem_size_0:
called_computation_lowered:
.L_overlay_start_0:
0x88: {  	s2 =	sld [smem:$0x3FD9]  }
0x89: {  	s3 =	sld [smem:$0x3FFE];
	_ =	sdelay $0x1  }
0x8a: {  	s1 =	srdreg.scid  }
0x8b: {  	s0 =	sand.u32 $0x1, s1  }
0x8c: {  	s16 =	sshll.u32 s0, $0xA;
	s2 =	sadd.s32 s3, s2  }
0x8d: {  	s2 =	sadd.s32 s2, s16  }
0x8e: {  	[smem:$0x3FB1] =	sst s2  }
0x8f: {  	_ = 	snop  }
0x90: {  	(tm) =	ssettm $0x1  }
0x91: {  	s17 =	sld [smem:$0x3FFB];
	_ =	sdelay $0x3  }
0x92: {  	_ =	strace s17  }
0x93: {  	s2 =	sld [smem:$0x3FFC];
	_ =	sdelay $0x3  }
0x94: {  	_ =	strace s2  }
0x95: {  	s2 =	sld [smem:$0x3FFD];
	_ =	sdelay $0x3  }
0x96: {  	_ =	strace s2  }
0x97: {  	_ =	strace $0x8FFFFFFF  }
0x98: {  	s18 =	sld [smem:$0x3FDB];
	_ =	sdelay $0x1  }
0x99: {  	s19 =	simm.s32 $_scs_section_size  }
0x9a: {  	s4 =	simm.s32 $_size__tile_overlayer_lowered;
	s5 =	simm.s32 $_tile_overlayer_lowered  }
0x9b: {  	s22 =	simm.s32 $0x1BFF;
	s21 =	sshll.u32 s5, $0x1;
	s2 =	sadd.s32 s19, s18  }
0x9c: {  	s6 =	simm.s32 $0x0;
	s20 =	sshll.u32 s4, $0x1;
	s4 =	sadd.s32 s21, s2  }
0x9d: {  	[timem:s6], [sflag:s22] =	dma.local [hbm:s4], s20  }
0x9e: {  	_ =	swait.ge [sflag:s22], s20  }
0x9f: {  	s3 =	ssub.s32 $0x0, s20;
	[sflag:s22] =	ssyncset.done $0x0  }
0xa0: {  	[sflag:s22] =	ssyncadd.s32 s3;
	_ =	sdelay $0x1  }
0xa1: {  	s23 =	simm.s32 $0x1B8B  }
0xa2: {  	_ =	swait.ge [sflag:s23], $0x1  }
0xa3: {  	[sflag:s23] =	ssyncset.done $0x0  }
0xa4: {  	s25 =	simm.s32 $0x1B8E;
	s24 =	sld [smem:$0x3FFE];
	[sflag:s23] =	ssyncadd.s32 $0xFFFFFFFF  }
0xa5: {  	s26 =	simm.s32 $execute0_lowered;
	[smem:$0x3FD2] =	sst s25  }
0xa6: {  	s4 =	sshll.u32 s26, $0x1;
	_ =	strace $0x80000046;
	[dreg:$0x1] =	wrdreg $0xFFFFFFFF  }
0xa7: {  	s28 =	simm.s32 $_size_execute0_lowered;
	s2 =	sadd.s32 s2, s4;
	[dreg:$0x0] =	wrdreg $0x0  }
0xa8: {  	s4 =	sshll.u32 s28, $0x1;
	[dreg:$0x2] =	wrdreg s2  }
0xa9: {  	[dreg:$0x3] =	wrdreg s4  }
0xaa: {  	[dreg:$0x4] =	wrdreg $0xC0  }
0xab: {  	_ =	task [dreg:s6], $0x5FFFF  }
0xac: {  	[dreg:$0x1] =	wrdreg $0xFFFFFFFF  }
0xad: {  	[dreg:$0x0] =	wrdreg $0x60  }
0xae: {  	[dreg:$0x2] =	wrdreg s24  }
0xaf: {  	[dreg:$0x3] =	wrdreg $0xB7800  }
0xb0: {  	[dreg:$0x4] =	wrdreg $0x153C00  }
0xb1: {  	[dreg:$0x5] =	wrdreg $0x9  }
0xb2: {  	_ =	task.clear_ibuf [dreg:s6], $0x6FFFF;
	_ =	strace $0x90000046  }
0xb3: {  	s29 =	simm.s32 $0x9;
	_ =	strace $0x80000048  }
0xb4: {  	_ =	swait.ge [sflag:s29], $0x1  }
0xb5: {  	[sflag:s29] =	ssyncadd.s32 $0xFFFFFFFF  }
0xb6: {  	_ =	strace $0x90000048  }
0xb7: {  	_ =	sfence  }
0xb8: {  	s30 =	sld [smem:$0x0];
	_ =	sdelay $0x2  }
0xb9: {  	s31 =	sshll.u32 s1, $0xD;
	s1 =	sshrl.u32 s1, $0x2  }
0xba: {  	s3 =	sand.u32 $0x4000, s31;
	s1 =	sadd.s32 s1, s30  }
0xbb: {  	s0 =	sor.u32 s3, s0;
	s1 =	sshll.u32 s1, $0x11  }
0xbc: {  	s0 =	sor.u32 s1, s0  }
0xbd: {  	s0 =	sadd.s32 $0x8F2B, s0  }
0xbe: {  	[sflag:s0] =	ssyncadd.remote.s32 $0x1  }
0xbf: {  	_ =	sfence.sel $0xFFFF  }
0xc0: {  	[dreg:$0x0] =	wrdreg $0xFFFFFFFF;
	(pc) =	sbr.abs _section_cstart, $3  }
0xc1: {  	[dreg:$0x1] =	wrdreg $0xFFFFFFFF  }
0xc2: {  	_ =	task.clear_ibuf [dreg:s6], $0x2FFFF;
	_ =	strace $0x9FFFFFFF  }
0xc3: {  	(tm) =	ssettm $0x7FFFFFFF  }
tec
execute0_lowered:
.L_overlay_start_1:
0x0: {  	(tag) =	ssettag $0x1  }
0x1: {  	s0 =	rddreg [dreg:$0x0]  }
0x2: {  	s2 =	rddreg [dreg:$0x1]  }
0x3: {  	s3 =	rddreg [dreg:$0x2]  }
0x4: {  	s5 =	srdreg.scid;
	s1 =	stileid.u32  }
0x5: {  	s4 =	simm.s32 $0x0;
	s28 =	simm.s32 $0x7000;
	s29 =	simm.s32 $0x1  }
0x6: {  	s30 =	simm.s32 $0x2780;
	s31 =	simm.s32 $0x4F00;
	s5 =	sand.u32 $0x1, s5  }
0x7: {  	s8 =	smul.u32 $0x9E00, s1;
	[smem:$0x7FF] =	sst s4;
	s6 =	sadd.s32 $0x16A00, s0  }
0x8: {  	s13 =	sadd.s32 $0x3000, s0;
	s9 =	sadd.s32 $0x34400, s0;
	s11 =	smul.u32 $0x9C00, s1  }
0x9: {  	s19 =	sadd.s32 $0x2A400, s0;
	s12 =	smul.u32 $0x27800, s1;
	s21 =	sadd.s32 $0x9C000, s2  }
0xa: {  	p1 =	sne.s32 s1, $0xF;
	p2 =	seq.s32 s1, $0xF;
	s7 =	smul.u32 $0x9E000, s5  }
0xb: {  	_ =	strace $0x80000047;
	s10 =	ssub.s32 $0x2, s5;
	[dreg:$0x4] =	wrdreg s6  }
0xc: {  	p0 =	seq.s32 s5, $0x1;
	[dreg:$0x5] =	wrdreg s13;
	s26 =	sshrl.u32 s21, $0x3  }
0xd: {  	s21 =	simm.s32 $0x9000;
	s17 =	sshrl.u32 s10, $0x1;
	s18 =	sshrl.u32 s11, $0x3  }
0xe: {  	s23 =	sshrl.u32 s12, $0x2;
	[dreg:$0x8] =	wrdreg s26;
	s26 =	simm.s32 $0x5000  }
0xf: {  	s7 =	sadd.s32 s8, s7;
	s15 =	ssub.s32 s10, s17;
	s20 =	sadd.s32 s6, s18  }
0x10: {  	s22 =	sadd.s32 s13, s18;
	s10 =	sadd.s32 s8, s3;
	s24 =	sadd.s32 s23, s3  }
0x11: {  	s17 =	smul.u32 $0xA00, s1;
	s23 =	simm.s32 $0x2;
	[dreg:$0x6] =	wrdreg s20  }
0x12: {  	s7 =	sshrl.u32 s7, $0x3;
	[dreg:$0x7] =	wrdreg s22;
	s12 =	sadd.s32 $0x4F00, s24  }
0x13: {  	s13 =	sadd.s32 $0x7680, s24;
	s15 =	smax.u32 s15, $0x1;
	s22 =	simm.s32 $0x3  }
0x14: {  	s0 =	sadd.s32 s7, s0;
	s7 =	sadd.s32 s11, s2;
	s11 =	sadd.s32 $0x2780, s24  }
0x15: {  	s25 =	sadd.s32 $0x500, s17;
	s16 =	sadd.s32 s9, s17;
	s17 =	sadd.s32 s19, s17  }
0x16: {  	s24 =	simm.s32 $0x2800;
	s14 =	sadd.s32 $0x3E400, s0;
	s18 =	sadd.s32 s9, s25  }
0x17: {  	v0 =	vimm.f32 $0.0e+00;
	s19 =	sadd.s32 s19, s25;
	s25 =	simm.s32 $0x80;
	s0 =	simm.s32 $0x4F80  }
.LBB2_1:
.Ltmp0:
0x18: {  	(pc) =	sbr.rel @!p0 .LBB2_2-.Ltmp0, $4  }
0x19: {  	_ = 	snop  }
0x1a: {  	s1 =	stileid.u32  }
0x1b: {  	s8 =	sshll.u32 s1, $0x6  }
0x1c: {  	s9 =	sshrl.u32 s7, $0x3;
	s5 =	sor.u32 $0x1C02, s8  }
.Ltmp1:
0x1d: {  	(pc) =	sbr.rel @p1 .LBB2_5-.Ltmp1, $4  }
.Ltmp2:
0x1e: {  	(pc) =	sbr.rel @!p1 .LBB2_4-.Ltmp2, $4  }
0x1f: {  	s5 =	sor.u32 $0x1C02, s8;
	s1 =	rddreg [dreg:$0x7]  }
0x20: {  	[spmem:s9], [sflag:s5] =	dma.local [hbm:s1], $0x1380  }
0x21: {  	s9 =	rddreg [dreg:$0x5]  }
0x22: {  	_ = 	snop  }
.LBB2_2:
.Ltmp3:
0x23: {  	(pc) =	sbr.rel @!p2 .LBB2_5-.Ltmp3, $4  }
0x24: {  	_ = 	snop  }
0x25: {  	s1 =	rddreg [dreg:$0x6]  }
0x26: {  	[spmem:s9], [sflag:s5] =	dma.local [hbm:s1], $0x1380  }
0x27: {  	s9 =	rddreg [dreg:$0x4]  }
.LBB2_4:
0x28: {  	s9 =	sadd.s32 $0x13800, s9;
	s1 =	rddreg [dreg:$0x8]  }
0x29: {  	[spmem:s1], [sflag:s5] =	dma.local [hbm:s9], $0x80  }
.LBB2_5:
0x2a: {  	s5 =	simm.s32 $0x100;
	s9 =	simm.s32 $0x0  }
.LBB2_6:
0x2b: {  	p3 =	sne.s32 s5, $0x9D00;
	[tilespmem:s9+$0x9030] =	vst v0;
	s6 =	smov.u32 s5;
	s5 =	sadd.s32 $0x100, s5  }
.Ltmp4:
0x2c: {  	[tilespmem:s9+$0x9020] =	vst v0;
	(pc) =	sbr.rel @p3 .LBB2_6-.Ltmp4, $3  }
0x2d: {  	[tilespmem:s9+$0x9000] =	vst v0  }
0x2e: {  	[tilespmem:s9+$0x9010] =	vst v0;
	_ =	sdelay $0x1  }
0x2f: {  	s9 =	sshra.s32 s6, $0x2  }
0x30: {  	[tilespmem:s9+$0x9030] =	vst v0  }
0x31: {  	[tilespmem:s9+$0x9020] =	vst v0  }
0x32: {  	[tilespmem:s9+$0x9000] =	vst v0  }
0x33: {  	[tilespmem:s9+$0x9010] =	vst v0  }
0x34: {  	[spmem:s10] =	stream.linear.scatter [tilespmem:s21], [sflag:$0x3], $0x2780, $0x38;
	[tilespmem:$0x1F1C0] =	vst v63  }
0x35: {  	_ =	swait.ge [sflag:s22], $0x2780  }
0x36: {  	[sflag:s22] =	ssyncset.done $0x0  }
0x37: {  	[sflag:s22] =	ssyncadd.s32 $0xFFFFD880  }
0x38: {  	[spmem:s11] =	stream.linear.scatter [tilespmem:s21], [sflag:$0x3], $0x2780, $0x38;
	[tilespmem:$0x1F1C0] =	vst v63  }
0x39: {  	_ =	swait.ge [sflag:s22], $0x2780  }
0x3a: {  	[sflag:s22] =	ssyncset.done $0x0  }
0x3b: {  	[sflag:s22] =	ssyncadd.s32 $0xFFFFD880  }
0x3c: {  	[spmem:s12] =	stream.linear.scatter [tilespmem:s21], [sflag:$0x3], $0x2780, $0x38;
	[tilespmem:$0x1F1C0] =	vst v63  }
0x3d: {  	_ =	swait.ge [sflag:s22], $0x2780  }
0x3e: {  	[sflag:s22] =	ssyncset.done $0x0  }
0x3f: {  	[sflag:s22] =	ssyncadd.s32 $0xFFFFD880  }
0x40: {  	[spmem:s13] =	stream.linear.scatter [tilespmem:s21], [sflag:$0x3], $0x2780, $0x38;
	[tilespmem:$0x1F1C0] =	vst v63  }
0x41: {  	_ =	swait.ge [sflag:s22], $0x2780  }
0x42: {  	[sflag:s22] =	ssyncset.done $0x0  }
0x43: {  	[sflag:s22] =	ssyncadd.s32 $0xFFFFD880  }
0x44: {  	_ =	swait.ge [sflag:s23], $0x1380  }
0x45: {  	[sflag:s23] =	ssyncset.done $0x0  }
0x46: {  	s5 =	simm.s32 @!p1 $0x2;
	[sflag:s23] =	ssyncadd.s32 $0xFFFFEC80  }
0x47: {  	_ =	swait.ge @!p1 [sflag:s5], $0x80  }
0x48: {  	[sflag:s5] =	ssyncset.done @!p1 $0x0  }
0x49: {  	[sflag:s5] =	ssyncadd.s32 @!p1 $0xFFFFFF80  }
0x4a: {  	s20 =	simm.s32 $0x0;
	[bflag:$0x0] =	sbarrier.arrive $0xFFFF  }
0x4b: {  	[tilespmem:s20], [sflag:$0x3] =	stream.linear.gather [hbm4b:s16+s20], $0x2800, $0x38;
	[tilespmem:$0x1F1C0] =	vst v63  }
0x4c: {  	_ =	swait.ge [sflag:s22], $0x2800  }
0x4d: {  	[sflag:s22] =	ssyncset.done $0x0  }
0x4e: {  	[sflag:s22] =	ssyncadd.s32 $0xFFFFD800  }
0x4f: {  	[tilespmem:s24], [sflag:$0x3] =	stream.linear.gather [hbm4b:s17+s20], $0x2800, $0x38;
	[tilespmem:$0x1F1C0] =	vst v63  }
0x50: {  	_ =	swait.ge [sflag:s22], $0x2800  }
0x51: {  	[sflag:s22] =	ssyncset.done $0x0  }
0x52: {  	[sflag:s22] =	ssyncadd.s32 $0xFFFFD800  }
0x53: {  	[tilespmem:s26], [sflag:$0x1] =	stream.indirect.gather [spmem:s2], $0x40, s20, s25, $0xb8;
	[tilespmem:$0x1F1C0] =	vst v63  }
0x54: {  	s1 =	simm.s32 $0x80  }
0x55: {  	[tilespmem:s28], [sflag:$0x2] =	stream.indirect.gather [spmem:s2], $0x40, s1, s25, $0xb8;
	[tilespmem:$0x1F1C0] =	vst v63  }
0x56: {  	_ =	swait.ge [sflag:s29], $0x2000  }
0x57: {  	[sflag:s29] =	ssyncset.done $0x0  }
0x58: {  	s6 =	simm.s32 $0x2800;
	[sflag:s29] =	ssyncadd.s32 $0xFFFFE000  }
0x59: {  	[spmem:s3] =	stream.indirect.scatter.add.f32 [tilespmem:s26], [sflag:$0x3], $0x40, s6, s25, $0xb8;
	[tilespmem:$0x1F1C0] =	vst v63  }
0x5a: {  	_ =	swait.ge [sflag:s22], $0x2000  }
0x5b: {  	[sflag:s22] =	ssyncset.done $0x0  }
0x5c: {  	s9 =	simm.s32 $0x100;
	[sflag:s22] =	ssyncadd.s32 $0xFFFFE000  }
0x5d: {  	[tilespmem:s26], [sflag:$0x1] =	stream.indirect.gather [spmem:s2], $0x40, s9, s25, $0xb8;
	[tilespmem:$0x1F1C0] =	vst v63  }
0x5e: {  	_ =	swait.ge [sflag:s23], $0x2000  }
0x5f: {  	[sflag:s23] =	ssyncset.done $0x0  }
0x60: {  	s20 =	simm.s32 $0x2880;
	[sflag:s23] =	ssyncadd.s32 $0xFFFFE000  }
0x61: {  	[spmem:s3] =	stream.indirect.scatter.add.f32 [tilespmem:s28], [sflag:$0x3], $0x40, s20, s25, $0xb8;
	[tilespmem:$0x1F1C0] =	vst v63  }
0x62: {  	_ =	swait.ge [sflag:s22], $0x2000  }
0x63: {  	s5 =	simm.s32 $0x800;
	s9 =	simm.s32 $0x100;
	[sflag:s22] =	ssyncset.done $0x0  }
.LBB2_8:
0x64: {  	s6 =	sadd.s32 $0x80, s9  }
0x65: {  	[sflag:s22] =	ssyncadd.s32 $0xFFFFE000;
	s20 =	smov.u32 s5;
	s1 =	sadd.s32 $0x400, s5  }
0x66: {  	[tilespmem:s28], [sflag:$0x2] =	stream.indirect.gather [spmem:s2], $0x40, s6, s25, $0xb8;
	[tilespmem:$0x1F1C0] =	vst v63  }
0x67: {  	p3 =	sne.s32 s5, $0x9800;
	_ =	swait.ge [sflag:s29], $0x2000  }
0x68: {  	[sflag:s29] =	ssyncset.done $0x0  }
0x69: {  	s5 =	sadd.s32 $0x2800, s9;
	[sflag:s29] =	ssyncadd.s32 $0xFFFFE000  }
0x6a: {  	[spmem:s3] =	stream.indirect.scatter.add.f32 [tilespmem:s26], [sflag:$0x3], $0x40, s5, s25, $0xb8;
	[tilespmem:$0x1F1C0] =	vst v63  }
0x6b: {  	_ =	swait.ge [sflag:s22], $0x2000  }
0x6c: {  	[sflag:s22] =	ssyncset.done $0x0  }
0x6d: {  	s5 =	sadd.s32 $0x100, s9;
	[sflag:s22] =	ssyncadd.s32 $0xFFFFE000  }
0x6e: {  	[tilespmem:s26], [sflag:$0x1] =	stream.indirect.gather [spmem:s2], $0x40, s5, s25, $0xb8;
	[tilespmem:$0x1F1C0] =	vst v63  }
0x6f: {  	_ =	swait.ge [sflag:s23], $0x2000  }
.Ltmp5:
0x70: {  	[sflag:s23] =	ssyncset.done $0x0;
	(pc) =	sbr.rel @p3 .LBB2_8-.Ltmp5, $4  }
0x71: {  	s5 =	sadd.s32 $0x2880, s9;
	[sflag:s23] =	ssyncadd.s32 $0xFFFFE000  }
0x72: {  	[spmem:s3] =	stream.indirect.scatter.add.f32 [tilespmem:s28], [sflag:$0x3], $0x40, s5, s25, $0xb8;
	[tilespmem:$0x1F1C0] =	vst v63  }
0x73: {  	_ =	swait.ge [sflag:s22], $0x2000  }
0x74: {  	s9 =	sshra.s32 s20, $0x2;
	s5 =	smov.u32 s1;
	[sflag:s22] =	ssyncset.done $0x0  }
0x75: {  	s1 =	sadd.s32 $0x80, s9;
	[sflag:s22] =	ssyncadd.s32 $0xFFFFE000  }
0x76: {  	[tilespmem:s28], [sflag:$0x2] =	stream.indirect.gather [spmem:s2], $0x40, s1, s25, $0xb8;
	[tilespmem:$0x1F1C0] =	vst v63  }
0x77: {  	_ =	swait.ge [sflag:s29], $0x2000  }
0x78: {  	[sflag:s29] =	ssyncset.done $0x0  }
0x79: {  	s5 =	sadd.s32 $0x2800, s9;
	[sflag:s29] =	ssyncadd.s32 $0xFFFFE000  }
0x7a: {  	[spmem:s3] =	stream.indirect.scatter.add.f32 [tilespmem:s26], [sflag:$0x3], $0x40, s5, s25, $0xb8;
	[tilespmem:$0x1F1C0] =	vst v63  }
0x7b: {  	_ =	swait.ge [sflag:s22], $0x2000  }
0x7c: {  	[sflag:s22] =	ssyncset.done $0x0  }
0x7d: {  	s6 =	sadd.s32 $0x100, s9;
	[sflag:s22] =	ssyncadd.s32 $0xFFFFE000  }
0x7e: {  	[tilespmem:s26], [sflag:$0x1] =	stream.indirect.gather [spmem:s2], $0x40, s6, s25, $0xb8;
	[tilespmem:$0x1F1C0] =	vst v63  }
0x7f: {  	_ =	swait.ge [sflag:s23], $0x2000  }
0x80: {  	[sflag:s23] =	ssyncset.done $0x0  }
0x81: {  	s9 =	sadd.s32 $0x2880, s9;
	[sflag:s23] =	ssyncadd.s32 $0xFFFFE000  }
0x82: {  	[spmem:s3] =	stream.indirect.scatter.add.f32 [tilespmem:s28], [sflag:$0x3], $0x40, s9, s25, $0xb8;
	[tilespmem:$0x1F1C0] =	vst v63  }
0x83: {  	_ =	swait.ge [sflag:s22], $0x2000  }
0x84: {  	[sflag:s22] =	ssyncset.done $0x0  }
0x85: {  	[sflag:s22] =	ssyncadd.s32 $0xFFFFE000  }
0x86: {  	[tilespmem:s28], [sflag:$0x2] =	stream.indirect.gather [spmem:s2], $0x40, s30, s25, $0xb8;
	[tilespmem:$0x1F1C0] =	vst v63  }
0x87: {  	_ =	swait.ge [sflag:s29], $0x2000  }
0x88: {  	[sflag:s29] =	ssyncset.done $0x0  }
0x89: {  	[sflag:s29] =	ssyncadd.s32 $0xFFFFE000  }
0x8a: {  	[spmem:s3] =	stream.indirect.scatter.add.f32 [tilespmem:s26], [sflag:$0x3], $0x40, s31, s25, $0xb8;
	[tilespmem:$0x1F1C0] =	vst v63  }
0x8b: {  	_ =	swait.ge [sflag:s22], $0x2000  }
0x8c: {  	[sflag:s22] =	ssyncset.done $0x0  }
0x8d: {  	[sflag:s22] =	ssyncadd.s32 $0xFFFFE000  }
0x8e: {  	_ =	swait.ge [sflag:s23], $0x2000  }
0x8f: {  	[sflag:s23] =	ssyncset.done $0x0  }
0x90: {  	[sflag:s23] =	ssyncadd.s32 $0xFFFFE000  }
0x91: {  	[spmem:s3] =	stream.indirect.scatter.add.f32 [tilespmem:s28], [sflag:$0x3], $0x40, s0, s25, $0xb8;
	[tilespmem:$0x1F1C0] =	vst v63  }
0x92: {  	_ =	swait.ge [sflag:s22], $0x2000  }
0x93: {  	[sflag:s22] =	ssyncset.done $0x0  }
0x94: {  	s20 =	simm.s32 $0x0;
	[sflag:s22] =	ssyncadd.s32 $0xFFFFE000  }
0x95: {  	[tilespmem:s20], [sflag:$0x3] =	stream.linear.gather [hbm4b:s18+s20], $0x2800, $0x38;
	[tilespmem:$0x1F1C0] =	vst v63  }
0x96: {  	_ =	swait.ge [sflag:s22], $0x2800  }
0x97: {  	[sflag:s22] =	ssyncset.done $0x0  }
0x98: {  	[sflag:s22] =	ssyncadd.s32 $0xFFFFD800  }
0x99: {  	[tilespmem:s24], [sflag:$0x3] =	stream.linear.gather [hbm4b:s19+s20], $0x2800, $0x38;
	[tilespmem:$0x1F1C0] =	vst v63  }
0x9a: {  	_ =	swait.ge [sflag:s22], $0x2800  }
0x9b: {  	[sflag:s22] =	ssyncset.done $0x0  }
0x9c: {  	[sflag:s22] =	ssyncadd.s32 $0xFFFFD800  }
0x9d: {  	[tilespmem:s26], [sflag:$0x1] =	stream.indirect.gather [spmem:s2], $0x40, s20, s25, $0xb8;
	[tilespmem:$0x1F1C0] =	vst v63  }
0x9e: {  	s5 =	simm.s32 $0x80  }
0x9f: {  	[tilespmem:s28], [sflag:$0x2] =	stream.indirect.gather [spmem:s2], $0x40, s5, s25, $0xb8;
	[tilespmem:$0x1F1C0] =	vst v63  }
0xa0: {  	_ =	swait.ge [sflag:s29], $0x2000  }
0xa1: {  	[sflag:s29] =	ssyncset.done $0x0  }
0xa2: {  	s6 =	simm.s32 $0x2800;
	[sflag:s29] =	ssyncadd.s32 $0xFFFFE000  }
0xa3: {  	[spmem:s3] =	stream.indirect.scatter.add.f32 [tilespmem:s26], [sflag:$0x3], $0x40, s6, s25, $0xb8;
	[tilespmem:$0x1F1C0] =	vst v63  }
0xa4: {  	_ =	swait.ge [sflag:s22], $0x2000  }
0xa5: {  	[sflag:s22] =	ssyncset.done $0x0  }
0xa6: {  	s9 =	simm.s32 $0x100;
	[sflag:s22] =	ssyncadd.s32 $0xFFFFE000  }
0xa7: {  	[tilespmem:s26], [sflag:$0x1] =	stream.indirect.gather [spmem:s2], $0x40, s9, s25, $0xb8;
	[tilespmem:$0x1F1C0] =	vst v63  }
0xa8: {  	_ =	swait.ge [sflag:s23], $0x2000  }
0xa9: {  	[sflag:s23] =	ssyncset.done $0x0  }
0xaa: {  	s20 =	simm.s32 $0x2880;
	[sflag:s23] =	ssyncadd.s32 $0xFFFFE000  }
0xab: {  	[spmem:s3] =	stream.indirect.scatter.add.f32 [tilespmem:s28], [sflag:$0x3], $0x40, s20, s25, $0xb8;
	[tilespmem:$0x1F1C0] =	vst v63  }
0xac: {  	_ =	swait.ge [sflag:s22], $0x2000  }
0xad: {  	s5 =	simm.s32 $0x800;
	s9 =	simm.s32 $0x100;
	[sflag:s22] =	ssyncset.done $0x0  }
.LBB2_10:
0xae: {  	s1 =	sadd.s32 $0x80, s9  }
0xaf: {  	[sflag:s22] =	ssyncadd.s32 $0xFFFFE000;
	s6 =	smov.u32 s5;
	s20 =	sadd.s32 $0x400, s5  }
0xb0: {  	[tilespmem:s28], [sflag:$0x2] =	stream.indirect.gather [spmem:s2], $0x40, s1, s25, $0xb8;
	[tilespmem:$0x1F1C0] =	vst v63  }
0xb1: {  	p3 =	sne.s32 s5, $0x9800;
	_ =	swait.ge [sflag:s29], $0x2000  }
0xb2: {  	[sflag:s29] =	ssyncset.done $0x0  }
0xb3: {  	s1 =	sadd.s32 $0x2800, s9;
	[sflag:s29] =	ssyncadd.s32 $0xFFFFE000  }
0xb4: {  	[spmem:s3] =	stream.indirect.scatter.add.f32 [tilespmem:s26], [sflag:$0x3], $0x40, s1, s25, $0xb8;
	[tilespmem:$0x1F1C0] =	vst v63  }
0xb5: {  	_ =	swait.ge [sflag:s22], $0x2000  }
0xb6: {  	[sflag:s22] =	ssyncset.done $0x0  }
0xb7: {  	s1 =	sadd.s32 $0x100, s9;
	[sflag:s22] =	ssyncadd.s32 $0xFFFFE000  }
0xb8: {  	[tilespmem:s26], [sflag:$0x1] =	stream.indirect.gather [spmem:s2], $0x40, s1, s25, $0xb8;
	[tilespmem:$0x1F1C0] =	vst v63  }
0xb9: {  	_ =	swait.ge [sflag:s23], $0x2000  }
.Ltmp6:
0xba: {  	[sflag:s23] =	ssyncset.done $0x0;
	(pc) =	sbr.rel @p3 .LBB2_10-.Ltmp6, $4  }
0xbb: {  	s1 =	sadd.s32 $0x2880, s9;
	[sflag:s23] =	ssyncadd.s32 $0xFFFFE000  }
0xbc: {  	[spmem:s3] =	stream.indirect.scatter.add.f32 [tilespmem:s28], [sflag:$0x3], $0x40, s1, s25, $0xb8;
	[tilespmem:$0x1F1C0] =	vst v63  }
0xbd: {  	_ =	swait.ge [sflag:s22], $0x2000  }
0xbe: {  	s5 =	smov.u32 s20;
	s9 =	sshra.s32 s6, $0x2;
	[sflag:s22] =	ssyncset.done $0x0  }
0xbf: {  	s1 =	sadd.s32 $0x80, s9;
	[sflag:s22] =	ssyncadd.s32 $0xFFFFE000  }
0xc0: {  	[tilespmem:s28], [sflag:$0x2] =	stream.indirect.gather [spmem:s2], $0x40, s1, s25, $0xb8;
	[tilespmem:$0x1F1C0] =	vst v63  }
0xc1: {  	_ =	swait.ge [sflag:s29], $0x2000  }
0xc2: {  	[sflag:s29] =	ssyncset.done $0x0  }
0xc3: {  	s5 =	sadd.s32 $0x2800, s9;
	[sflag:s29] =	ssyncadd.s32 $0xFFFFE000  }
0xc4: {  	[spmem:s3] =	stream.indirect.scatter.add.f32 [tilespmem:s26], [sflag:$0x3], $0x40, s5, s25, $0xb8;
	[tilespmem:$0x1F1C0] =	vst v63  }
0xc5: {  	_ =	swait.ge [sflag:s22], $0x2000  }
0xc6: {  	[sflag:s22] =	ssyncset.done $0x0  }
0xc7: {  	s6 =	sadd.s32 $0x100, s9;
	[sflag:s22] =	ssyncadd.s32 $0xFFFFE000  }
0xc8: {  	[tilespmem:s26], [sflag:$0x1] =	stream.indirect.gather [spmem:s2], $0x40, s6, s25, $0xb8;
	[tilespmem:$0x1F1C0] =	vst v63  }
0xc9: {  	_ =	swait.ge [sflag:s23], $0x2000  }
0xca: {  	[sflag:s23] =	ssyncset.done $0x0  }
0xcb: {  	s9 =	sadd.s32 $0x2880, s9;
	[sflag:s23] =	ssyncadd.s32 $0xFFFFE000  }
0xcc: {  	[spmem:s3] =	stream.indirect.scatter.add.f32 [tilespmem:s28], [sflag:$0x3], $0x40, s9, s25, $0xb8;
	[tilespmem:$0x1F1C0] =	vst v63  }
0xcd: {  	_ =	swait.ge [sflag:s22], $0x2000  }
0xce: {  	[sflag:s22] =	ssyncset.done $0x0  }
0xcf: {  	[sflag:s22] =	ssyncadd.s32 $0xFFFFE000  }
0xd0: {  	[tilespmem:s28], [sflag:$0x2] =	stream.indirect.gather [spmem:s2], $0x40, s30, s25, $0xb8;
	[tilespmem:$0x1F1C0] =	vst v63  }
0xd1: {  	_ =	swait.ge [sflag:s29], $0x2000  }
0xd2: {  	[sflag:s29] =	ssyncset.done $0x0  }
0xd3: {  	[sflag:s29] =	ssyncadd.s32 $0xFFFFE000  }
0xd4: {  	[spmem:s3] =	stream.indirect.scatter.add.f32 [tilespmem:s26], [sflag:$0x3], $0x40, s31, s25, $0xb8;
	[tilespmem:$0x1F1C0] =	vst v63  }
0xd5: {  	_ =	swait.ge [sflag:s22], $0x2000  }
0xd6: {  	[sflag:s22] =	ssyncset.done $0x0  }
0xd7: {  	[sflag:s22] =	ssyncadd.s32 $0xFFFFE000  }
0xd8: {  	_ =	swait.ge [sflag:s23], $0x2000  }
0xd9: {  	[sflag:s23] =	ssyncset.done $0x0  }
0xda: {  	[sflag:s23] =	ssyncadd.s32 $0xFFFFE000  }
0xdb: {  	[spmem:s3] =	stream.indirect.scatter.add.f32 [tilespmem:s28], [sflag:$0x3], $0x40, s0, s25, $0xb8;
	[tilespmem:$0x1F1C0] =	vst v63  }
0xdc: {  	_ =	swait.ge [sflag:s22], $0x2000  }
0xdd: {  	s4 =	sadd.s32 $0x1, s4;
	[sflag:s22] =	ssyncset.done $0x0  }
0xde: {  	s20 =	sor.u32 $0x1C03, s8;
	p3 =	sne.s32 s4, s15;
	[sflag:s22] =	ssyncadd.s32 $0xFFFFE000  }
.Ltmp7:
0xdf: {  	s5 =	sshrl.u32 s10, $0x3;
	[bflag:$0x0] =	sbarrier.arrive $0xFFFF;
	(pc) =	sbr.rel @p3 .LBB2_1-.Ltmp7, $4  }
0xe0: {  	[hbm:s14], [sflag:s20] =	dma.local [spmem:s5], $0x13C0  }
0xe1: {  	_ =	swait.ge [sflag:s22], $0x13C0  }
0xe2: {  	[sflag:s22] =	ssyncset.done $0x0  }
0xe3: {  	[sflag:s22] =	ssyncadd.s32 $0xFFFFEC40  }
0xe4: {  	_ =	sfence.sel $0x180000  }
0xe5: {  	[bflag:$0x0] =	sbarrier.arrive $0xFFFF  }
0xe6: {  	_ =	strace $0x90000047  }
0xe7: {  	s0 =	stileid.u32;
	[bflag:$0x2] =	sbarrier.arrive $0xFFFF  }
0xe8: {  	p0 =	sne.s32 s0, $0x0;
	s0 =	rddreg [dreg:$0x3]  }
0xe9: {  	s0 =	sadd.s32 @!p0 $0x100000, s0  }
0xea: {  	[sflag:s0] =	ssyncadd.tile.s32 @!p0 $0x1;
	_ =	shalt  }
.Lfunc_end2:
_tile_overlayer_lowered:
.L_overlay_start_2:
0xeb: {  	(tag) =	ssettag $0x2  }
0xec: {  	s0 =	rddreg [dreg:$0x0];
	s2 =	stileid.u32  }
0xed: {  	s1 =	rddreg [dreg:$0x1];
	p0 =	sne.s32 s2, $0x0  }
0xee: {  	s3 =	rddreg [dreg:$0x2];
	[bflag:$0x3] =	sbarrier.arrive $0xFFFF;
	s2 =	simm.s32 @!p0 $0x1C03  }
0xef: {  	[timem:s3], [sflag:s2] =	dma.local @!p0 [hbm:s0], s1  }
0xf0: {  	s0 =	simm.s32 @!p0 $0x3  }
0xf1: {  	_ =	swait.ge @!p0 [sflag:s0], s1  }
0xf2: {  	s1 =	ssub.s32 @!p0 $0x0, s1;
	[sflag:s0] =	ssyncset.done @!p0 $0x0  }
0xf3: {  	[sflag:s0] =	ssyncadd.s32 @!p0 s1  }
0xf4: {  	[bflag:$0x3] =	sbarrier.arrive $0xFFFF  }
0xf5: {  	_ =	shalt  }

// kernel: kernel.9.cloned.1.call-start
scs
__scs_entry_jumppad:
0x0: {  	(pc) =	sbr.rel $0x88, $3  }
0x1: {  	(tag) =	ssettag $0x0;
	lr =	simm.s32 $0x1  }
0x2: {  	[smem:$0x3F8A] =	sst lr;
	_ =	strace $0xD0000000  }
0x3: {  	_ = 	snop  }
0x4: {  	_ = 	snop  }
0x5: {  	_ = 	snop  }
0x6: {  	_ = 	snop  }
0x7: {  	_ = 	snop  }
__scs_overlays_trampoline_lowered:
0x8: {  	[smem:$0x3F99] =	sst s0  }
0x9: {  	[smem:$0x3F9A] =	sst s1  }
0xa: {  	[smem:$0x3F9B] =	sst s2  }
0xb: {  	[smem:$0x3F9C] =	sst s3  }
0xc: {  	[smem:$0x3F9D] =	sst s4  }
0xd: {  	[smem:$0x3F9E] =	sst s5  }
0xe: {  	[smem:$0x3F9F] =	sst s6  }
0xf: {  	[smem:$0x3FA0] =	sst s7  }
0x10: {  	[smem:$0x3FA1] =	sst s8  }
0x11: {  	[smem:$0x3FA2] =	sst s9;
	s0 =	simm.s32 @!p0 $0x0  }
0x12: {  	s1 =	sld [smem:$0x3F88];
	s0 =	simm.s32 @p0 $0x1  }
0x13: {  	[smem:$0x3FA3] =	sst s0;
	s0 =	simm.s32 @!p1 $0x0  }
0x14: {  	s2 =	sld [smem:$0x3F87];
	s0 =	simm.s32 @p1 $0x1  }
0x15: {  	[smem:$0x3FA4] =	sst s0;
	s0 =	simm.s32 @!p2 $0x0  }
0x16: {  	s3 =	sld [smem:$0x3FDB];
	s0 =	simm.s32 @p2 $0x1  }
0x17: {  	s4 =	simm.s32 $0x1BF5;
	[smem:$0x3FA6] =	sst s0  }
0x18: {  	s0 =	sld [smem:$0x3F89];
	_ =	swait.ge [sflag:s4], $0x0  }
0x19: {  	s7 =	sld [smem:$0x3F8A]  }
0x1a: {  	s8 =	sadd.s32 $0xFFFFE003, lr  }
0x1b: {  	s9 =	sadd.s32 $0xFFFFFEF7, lr;
	s5 =	simm.s32 $0xFFFFFFFF;
	p2 =	slt.u32 s8, $0xFFFFF086  }
0x1c: {  	p1 =	slt.u32 s9, $0xF7A;
	s5 =	simm.s32 @!p2 $0x0  }
0x1d: {  	s5 =	simm.s32 @p1 $0x1;
	p0 =	seq.s32 s7, s2  }
0x1e: {  	s7 =	smul.u32 @!p0 $0xF7A, s2;
	p2 =	seq.s32 @!p0 s5, $0x0  }
0x1f: {  	s9 =	smul.u32 $0xF7A, s1;
	s8 =	simm.s32 @!p0 $0x1BF5;
	p2 =	por !p2, p0  }
0x20: {  	[sflag:s8] =	ssyncset.s32 @!p0 $0xFFFFF086;
	s6 =	sadd.s32 @!p0 s3, s7;
	s7 =	simm.s32 @!p0 $0x108  }
0x21: {  	s3 =	sadd.s32 s3, s9;
	s6 =	sadd.s32 @!p0 $0x88, s6;
	s7 =	simm.s32 @p2 $0x1082  }
0x22: {  	[simem:s7], [sflag:s8] =	dma.local @!p0 [hbm:s6], $0xF7A  }
0x23: {  	s9 =	sor.u32 $0xD0000000, s2;
	s6 =	simm.s32 $0x108;
	_ =	swait.ge @!p0 [sflag:s8], $0x0  }
0x24: {  	s3 =	sadd.s32 $0x88, s3;
	s6 =	simm.s32 @!p1 $0x1082;
	[sflag:s4] =	ssyncset.s32 $0xFFFFF086  }
0x25: {  	[simem:s6], [sflag:s4] =	dma.local [hbm:s3], $0xF7A  }
0x26: {  	[smem:$0x3F8A] =	sst s1;
	(tag) =	ssettag s2;
	_ =	strace s9  }
0x27: {  	s1 =	sld [smem:$0x3F9A]  }
0x28: {  	s2 =	sld [smem:$0x3F9B]  }
0x29: {  	s4 =	sld [smem:$0x3F9D]  }
0x2a: {  	p0 =	seq.s32 s5, $0x0;
	s5 =	sld [smem:$0x3F9E]  }
0x2b: {  	s6 =	sld [smem:$0x3F9F]  }
0x2c: {  	s7 =	sld [smem:$0x3FA0]  }
0x2d: {  	s3 =	simm.s32 $0x108;
	s8 =	sld [smem:$0x3FA1]  }
0x2e: {  	s3 =	simm.s32 @!p0 $0x1082;
	s9 =	sld [smem:$0x3FA2]  }
0x2f: {  	lr =	sadd.s32 s0, s3;
	s0 =	sld [smem:$0x3F99]  }
0x30: {  	s3 =	sld [smem:$0x3F9C]  }
0x31: {  	[smem:$0x3FA5] =	sst s10  }
0x32: {  	s10 =	sld [smem:$0x3FA3];
	_ =	sdelay $0x3  }
0x33: {  	p0 =	seq.s32 s10, $0x1;
	s10 =	sld [smem:$0x3FA5];
	_ =	sdelay $0x3  }
0x34: {  	[smem:$0x3FA5] =	sst s10  }
0x35: {  	s10 =	sld [smem:$0x3FA4];
	_ =	sdelay $0x3  }
0x36: {  	p1 =	seq.s32 s10, $0x1;
	s10 =	sld [smem:$0x3FA5];
	_ =	sdelay $0x3  }
0x37: {  	[smem:$0x3FA5] =	sst s10  }
0x38: {  	s10 =	sld [smem:$0x3FA6]  }
0x39: {  	_ = 	snop;
	(pc) =	sbr.ind lr, $3  }
0x3a: {  	_ = 	snop  }
0x3b: {  	_ = 	snop  }
0x3c: {  	p2 =	seq.s32 s10, $0x1;
	s10 =	sld [smem:$0x3FA5]  }
0x3d: {  	_ =	shalt  }
0x3e: {  	_ =	shalt  }
0x3f: {  	_ =	shalt  }
0x40: {  	_ =	shalt  }
0x41: {  	_ =	shalt  }
0x42: {  	_ =	shalt  }
0x43: {  	_ =	shalt  }
0x44: {  	_ =	shalt  }
0x45: {  	_ =	shalt  }
0x46: {  	_ =	shalt  }
0x47: {  	_ =	shalt  }
0x48: {  	_ =	shalt  }
0x49: {  	_ =	shalt  }
0x4a: {  	_ =	shalt  }
0x4b: {  	_ =	shalt  }
0x4c: {  	_ =	shalt  }
0x4d: {  	_ =	shalt  }
0x4e: {  	_ =	shalt  }
0x4f: {  	_ =	shalt  }
0x50: {  	_ =	shalt  }
0x51: {  	_ =	shalt  }
0x52: {  	_ =	shalt  }
0x53: {  	_ =	shalt  }
0x54: {  	_ =	shalt  }
0x55: {  	_ =	shalt  }
0x56: {  	_ =	shalt  }
0x57: {  	_ =	shalt  }
0x58: {  	_ =	shalt  }
0x59: {  	_ =	shalt  }
0x5a: {  	_ =	shalt  }
0x5b: {  	_ =	shalt  }
0x5c: {  	_ =	shalt  }
0x5d: {  	_ =	shalt  }
0x5e: {  	_ =	shalt  }
0x5f: {  	_ =	shalt  }
0x60: {  	_ =	shalt  }
0x61: {  	_ =	shalt  }
0x62: {  	_ =	shalt  }
0x63: {  	_ =	shalt  }
0x64: {  	_ =	shalt  }
0x65: {  	_ =	shalt  }
0x66: {  	_ =	shalt  }
0x67: {  	_ =	shalt  }
0x68: {  	_ =	shalt  }
0x69: {  	_ =	shalt  }
0x6a: {  	_ =	shalt  }
0x6b: {  	_ =	shalt  }
0x6c: {  	_ =	shalt  }
0x6d: {  	_ =	shalt  }
0x6e: {  	_ =	shalt  }
0x6f: {  	_ =	shalt  }
0x70: {  	_ =	shalt  }
0x71: {  	_ =	shalt  }
0x72: {  	_ =	shalt  }
0x73: {  	_ =	shalt  }
0x74: {  	_ =	shalt  }
0x75: {  	_ =	shalt  }
0x76: {  	_ =	shalt  }
0x77: {  	_ =	shalt  }
0x78: {  	_ =	shalt  }
0x79: {  	_ =	shalt  }
0x7a: {  	_ =	shalt  }
0x7b: {  	_ =	shalt  }
0x7c: {  	_ =	shalt  }
0x7d: {  	_ =	shalt  }
0x7e: {  	_ =	shalt  }
0x7f: {  	_ =	shalt  }
0x80: {  	_ =	shalt  }
0x81: {  	_ =	shalt  }
0x82: {  	_ =	shalt  }
0x83: {  	_ =	shalt  }
0x84: {  	_ =	shalt  }
0x85: {  	_ =	shalt  }
0x86: {  	_ =	shalt  }
0x87: {  	_ =	shalt  }
.Lfunc_end0:
.L_simem_size_0:
called_computation.1_lowered:
.L_overlay_start_0:
0x88: {  	s2 =	sld [smem:$0x3FD9]  }
0x89: {  	s3 =	sld [smem:$0x3FFE];
	_ =	sdelay $0x1  }
0x8a: {  	s1 =	srdreg.scid  }
0x8b: {  	s0 =	sand.u32 $0x1, s1  }
0x8c: {  	s16 =	sshll.u32 s0, $0xA;
	s2 =	sadd.s32 s3, s2  }
0x8d: {  	s2 =	sadd.s32 s2, s16  }
0x8e: {  	[smem:$0x3FB1] =	sst s2  }
0x8f: {  	_ = 	snop  }
0x90: {  	(tm) =	ssettm $0x1  }
0x91: {  	s17 =	sld [smem:$0x3FFB];
	_ =	sdelay $0x3  }
0x92: {  	_ =	strace s17  }
0x93: {  	s2 =	sld [smem:$0x3FFC];
	_ =	sdelay $0x3  }
0x94: {  	_ =	strace s2  }
0x95: {  	s2 =	sld [smem:$0x3FFD];
	_ =	sdelay $0x3  }
0x96: {  	_ =	strace s2  }
0x97: {  	_ =	strace $0x8FFFFFFF  }
0x98: {  	s18 =	sld [smem:$0x3FDB];
	_ =	sdelay $0x1  }
0x99: {  	s19 =	simm.s32 $_scs_section_size  }
0x9a: {  	s4 =	simm.s32 $_size__tile_overlayer_lowered;
	s5 =	simm.s32 $_tile_overlayer_lowered  }
0x9b: {  	s22 =	simm.s32 $0x1BFF;
	s21 =	sshll.u32 s5, $0x1;
	s2 =	sadd.s32 s19, s18  }
0x9c: {  	s6 =	simm.s32 $0x0;
	s20 =	sshll.u32 s4, $0x1;
	s4 =	sadd.s32 s21, s2  }
0x9d: {  	[timem:s6], [sflag:s22] =	dma.local [hbm:s4], s20  }
0x9e: {  	_ =	swait.ge [sflag:s22], s20  }
0x9f: {  	s3 =	ssub.s32 $0x0, s20;
	[sflag:s22] =	ssyncset.done $0x0  }
0xa0: {  	[sflag:s22] =	ssyncadd.s32 s3;
	_ =	sdelay $0x1  }
0xa1: {  	s23 =	simm.s32 $0x1B8B  }
0xa2: {  	_ =	swait.ge [sflag:s23], $0x1  }
0xa3: {  	[sflag:s23] =	ssyncset.done $0x0  }
0xa4: {  	s25 =	simm.s32 $0x1B8E;
	s24 =	sld [smem:$0x3FFE];
	[sflag:s23] =	ssyncadd.s32 $0xFFFFFFFF  }
0xa5: {  	s26 =	simm.s32 $execute0_lowered;
	[smem:$0x3FD2] =	sst s25  }
0xa6: {  	s4 =	sshll.u32 s26, $0x1;
	_ =	strace $0x80000049;
	[dreg:$0x1] =	wrdreg $0xFFFFFFFF  }
0xa7: {  	s28 =	simm.s32 $_size_execute0_lowered;
	s2 =	sadd.s32 s2, s4;
	[dreg:$0x0] =	wrdreg $0x0  }
0xa8: {  	s4 =	sshll.u32 s28, $0x1;
	[dreg:$0x2] =	wrdreg s2  }
0xa9: {  	[dreg:$0x3] =	wrdreg s4  }
0xaa: {  	[dreg:$0x4] =	wrdreg $0xC0  }
0xab: {  	_ =	task [dreg:s6], $0x5FFFF  }
0xac: {  	[dreg:$0x1] =	wrdreg $0xFFFFFFFF  }
0xad: {  	[dreg:$0x0] =	wrdreg $0x60  }
0xae: {  	[dreg:$0x2] =	wrdreg s24  }
0xaf: {  	[dreg:$0x3] =	wrdreg $0xB7800  }
0xb0: {  	[dreg:$0x4] =	wrdreg $0x153C00  }
0xb1: {  	[dreg:$0x5] =	wrdreg $0x9  }
0xb2: {  	_ =	task.clear_ibuf [dreg:s6], $0x6FFFF;
	_ =	strace $0x90000049  }
0xb3: {  	s29 =	simm.s32 $0x9;
	_ =	strace $0x8000004B  }
0xb4: {  	_ =	swait.ge [sflag:s29], $0x1  }
0xb5: {  	[sflag:s29] =	ssyncadd.s32 $0xFFFFFFFF  }
0xb6: {  	_ =	strace $0x9000004B  }
0xb7: {  	_ =	sfence  }
0xb8: {  	s30 =	sld [smem:$0x0];
	_ =	sdelay $0x2  }
0xb9: {  	s31 =	sshll.u32 s1, $0xD;
	s1 =	sshrl.u32 s1, $0x2  }
0xba: {  	s3 =	sand.u32 $0x4000, s31;
	s1 =	sadd.s32 s1, s30  }
0xbb: {  	s0 =	sor.u32 s3, s0;
	s1 =	sshll.u32 s1, $0x11  }
0xbc: {  	s0 =	sor.u32 s1, s0  }
0xbd: {  	s0 =	sadd.s32 $0x8F2B, s0  }
0xbe: {  	[sflag:s0] =	ssyncadd.remote.s32 $0x1  }
0xbf: {  	_ =	sfence.sel $0xFFFF  }
0xc0: {  	[dreg:$0x0] =	wrdreg $0xFFFFFFFF;
	(pc) =	sbr.abs _section_cstart, $3  }
0xc1: {  	[dreg:$0x1] =	wrdreg $0xFFFFFFFF  }
0xc2: {  	_ =	task.clear_ibuf [dreg:s6], $0x2FFFF;
	_ =	strace $0x9FFFFFFF  }
0xc3: {  	(tm) =	ssettm $0x7FFFFFFF  }
tec
execute0_lowered:
.L_overlay_start_1:
0x0: {  	(tag) =	ssettag $0x1  }
0x1: {  	s0 =	rddreg [dreg:$0x0]  }
0x2: {  	s2 =	rddreg [dreg:$0x1]  }
0x3: {  	s3 =	rddreg [dreg:$0x2]  }
0x4: {  	s5 =	srdreg.scid;
	s1 =	stileid.u32  }
0x5: {  	s4 =	simm.s32 $0x0;
	s28 =	simm.s32 $0x7000;
	s29 =	simm.s32 $0x1  }
0x6: {  	s30 =	simm.s32 $0x2780;
	s31 =	simm.s32 $0x4F00;
	s5 =	sand.u32 $0x1, s5  }
0x7: {  	s8 =	smul.u32 $0x9E00, s1;
	[smem:$0x7FF] =	sst s4;
	s6 =	sadd.s32 $0x16A00, s0  }
0x8: {  	s13 =	sadd.s32 $0x3000, s0;
	s9 =	sadd.s32 $0x34400, s0;
	s11 =	smul.u32 $0x9C00, s1  }
0x9: {  	s19 =	sadd.s32 $0x2A400, s0;
	s12 =	smul.u32 $0x27800, s1;
	s21 =	sadd.s32 $0x9C000, s2  }
0xa: {  	p1 =	sne.s32 s1, $0xF;
	p2 =	seq.s32 s1, $0xF;
	s7 =	smul.u32 $0x9E000, s5  }
0xb: {  	_ =	strace $0x8000004A;
	s10 =	ssub.s32 $0x2, s5;
	[dreg:$0x4] =	wrdreg s6  }
0xc: {  	p0 =	seq.s32 s5, $0x1;
	[dreg:$0x5] =	wrdreg s13;
	s26 =	sshrl.u32 s21, $0x3  }
0xd: {  	s21 =	simm.s32 $0x9000;
	s17 =	sshrl.u32 s10, $0x1;
	s18 =	sshrl.u32 s11, $0x3  }
0xe: {  	s23 =	sshrl.u32 s12, $0x2;
	[dreg:$0x8] =	wrdreg s26;
	s26 =	simm.s32 $0x5000  }
0xf: {  	s7 =	sadd.s32 s8, s7;
	s15 =	ssub.s32 s10, s17;
	s20 =	sadd.s32 s6, s18  }
0x10: {  	s22 =	sadd.s32 s13, s18;
	s10 =	sadd.s32 s8, s3;
	s24 =	sadd.s32 s23, s3  }
0x11: {  	s17 =	smul.u32 $0xA00, s1;
	s23 =	simm.s32 $0x2;
	[dreg:$0x6] =	wrdreg s20  }
0x12: {  	s7 =	sshrl.u32 s7, $0x3;
	[dreg:$0x7] =	wrdreg s22;
	s12 =	sadd.s32 $0x4F00, s24  }
0x13: {  	s13 =	sadd.s32 $0x7680, s24;
	s15 =	smax.u32 s15, $0x1;
	s22 =	simm.s32 $0x3  }
0x14: {  	s0 =	sadd.s32 s7, s0;
	s7 =	sadd.s32 s11, s2;
	s11 =	sadd.s32 $0x2780, s24  }
0x15: {  	s25 =	sadd.s32 $0x500, s17;
	s16 =	sadd.s32 s9, s17;
	s17 =	sadd.s32 s19, s17  }
0x16: {  	s24 =	simm.s32 $0x2800;
	s14 =	sadd.s32 $0x3E400, s0;
	s18 =	sadd.s32 s9, s25  }
0x17: {  	v0 =	vimm.f32 $0.0e+00;
	s19 =	sadd.s32 s19, s25;
	s25 =	simm.s32 $0x80;
	s0 =	simm.s32 $0x4F80  }
.LBB2_1:
.Ltmp0:
0x18: {  	(pc) =	sbr.rel @!p0 .LBB2_2-.Ltmp0, $4  }
0x19: {  	_ = 	snop  }
0x1a: {  	s1 =	stileid.u32  }
0x1b: {  	s8 =	sshll.u32 s1, $0x6  }
0x1c: {  	s9 =	sshrl.u32 s7, $0x3;
	s5 =	sor.u32 $0x1C02, s8  }
.Ltmp1:
0x1d: {  	(pc) =	sbr.rel @p1 .LBB2_5-.Ltmp1, $4  }
.Ltmp2:
0x1e: {  	(pc) =	sbr.rel @!p1 .LBB2_4-.Ltmp2, $4  }
0x1f: {  	s5 =	sor.u32 $0x1C02, s8;
	s1 =	rddreg [dreg:$0x7]  }
0x20: {  	[spmem:s9], [sflag:s5] =	dma.local [hbm:s1], $0x1380  }
0x21: {  	s9 =	rddreg [dreg:$0x5]  }
0x22: {  	_ = 	snop  }
.LBB2_2:
.Ltmp3:
0x23: {  	(pc) =	sbr.rel @!p2 .LBB2_5-.Ltmp3, $4  }
0x24: {  	_ = 	snop  }
0x25: {  	s1 =	rddreg [dreg:$0x6]  }
0x26: {  	[spmem:s9], [sflag:s5] =	dma.local [hbm:s1], $0x1380  }
0x27: {  	s9 =	rddreg [dreg:$0x4]  }
.LBB2_4:
0x28: {  	s9 =	sadd.s32 $0x13800, s9;
	s1 =	rddreg [dreg:$0x8]  }
0x29: {  	[spmem:s1], [sflag:s5] =	dma.local [hbm:s9], $0x80  }
.LBB2_5:
0x2a: {  	s5 =	simm.s32 $0x100;
	s9 =	simm.s32 $0x0  }
.LBB2_6:
0x2b: {  	p3 =	sne.s32 s5, $0x9D00;
	[tilespmem:s9+$0x9030] =	vst v0;
	s6 =	smov.u32 s5;
	s5 =	sadd.s32 $0x100, s5  }
.Ltmp4:
0x2c: {  	[tilespmem:s9+$0x9020] =	vst v0;
	(pc) =	sbr.rel @p3 .LBB2_6-.Ltmp4, $3  }
0x2d: {  	[tilespmem:s9+$0x9000] =	vst v0  }
0x2e: {  	[tilespmem:s9+$0x9010] =	vst v0;
	_ =	sdelay $0x1  }
0x2f: {  	s9 =	sshra.s32 s6, $0x2  }
0x30: {  	[tilespmem:s9+$0x9030] =	vst v0  }
0x31: {  	[tilespmem:s9+$0x9020] =	vst v0  }
0x32: {  	[tilespmem:s9+$0x9000] =	vst v0  }
0x33: {  	[tilespmem:s9+$0x9010] =	vst v0  }
0x34: {  	[spmem:s10] =	stream.linear.scatter [tilespmem:s21], [sflag:$0x3], $0x2780, $0x38;
	[tilespmem:$0x1F1C0] =	vst v63  }
0x35: {  	_ =	swait.ge [sflag:s22], $0x2780  }
0x36: {  	[sflag:s22] =	ssyncset.done $0x0  }
0x37: {  	[sflag:s22] =	ssyncadd.s32 $0xFFFFD880  }
0x38: {  	[spmem:s11] =	stream.linear.scatter [tilespmem:s21], [sflag:$0x3], $0x2780, $0x38;
	[tilespmem:$0x1F1C0] =	vst v63  }
0x39: {  	_ =	swait.ge [sflag:s22], $0x2780  }
0x3a: {  	[sflag:s22] =	ssyncset.done $0x0  }
0x3b: {  	[sflag:s22] =	ssyncadd.s32 $0xFFFFD880  }
0x3c: {  	[spmem:s12] =	stream.linear.scatter [tilespmem:s21], [sflag:$0x3], $0x2780, $0x38;
	[tilespmem:$0x1F1C0] =	vst v63  }
0x3d: {  	_ =	swait.ge [sflag:s22], $0x2780  }
0x3e: {  	[sflag:s22] =	ssyncset.done $0x0  }
0x3f: {  	[sflag:s22] =	ssyncadd.s32 $0xFFFFD880  }
0x40: {  	[spmem:s13] =	stream.linear.scatter [tilespmem:s21], [sflag:$0x3], $0x2780, $0x38;
	[tilespmem:$0x1F1C0] =	vst v63  }
0x41: {  	_ =	swait.ge [sflag:s22], $0x2780  }
0x42: {  	[sflag:s22] =	ssyncset.done $0x0  }
0x43: {  	[sflag:s22] =	ssyncadd.s32 $0xFFFFD880  }
0x44: {  	_ =	swait.ge [sflag:s23], $0x1380  }
0x45: {  	[sflag:s23] =	ssyncset.done $0x0  }
0x46: {  	s5 =	simm.s32 @!p1 $0x2;
	[sflag:s23] =	ssyncadd.s32 $0xFFFFEC80  }
0x47: {  	_ =	swait.ge @!p1 [sflag:s5], $0x80  }
0x48: {  	[sflag:s5] =	ssyncset.done @!p1 $0x0  }
0x49: {  	[sflag:s5] =	ssyncadd.s32 @!p1 $0xFFFFFF80  }
0x4a: {  	s20 =	simm.s32 $0x0;
	[bflag:$0x0] =	sbarrier.arrive $0xFFFF  }
0x4b: {  	[tilespmem:s20], [sflag:$0x3] =	stream.linear.gather [hbm4b:s16+s20], $0x2800, $0x38;
	[tilespmem:$0x1F1C0] =	vst v63  }
0x4c: {  	_ =	swait.ge [sflag:s22], $0x2800  }
0x4d: {  	[sflag:s22] =	ssyncset.done $0x0  }
0x4e: {  	[sflag:s22] =	ssyncadd.s32 $0xFFFFD800  }
0x4f: {  	[tilespmem:s24], [sflag:$0x3] =	stream.linear.gather [hbm4b:s17+s20], $0x2800, $0x38;
	[tilespmem:$0x1F1C0] =	vst v63  }
0x50: {  	_ =	swait.ge [sflag:s22], $0x2800  }
0x51: {  	[sflag:s22] =	ssyncset.done $0x0  }
0x52: {  	[sflag:s22] =	ssyncadd.s32 $0xFFFFD800  }
0x53: {  	[tilespmem:s26], [sflag:$0x1] =	stream.indirect.gather [spmem:s2], $0x40, s20, s25, $0xb8;
	[tilespmem:$0x1F1C0] =	vst v63  }
0x54: {  	s1 =	simm.s32 $0x80  }
0x55: {  	[tilespmem:s28], [sflag:$0x2] =	stream.indirect.gather [spmem:s2], $0x40, s1, s25, $0xb8;
	[tilespmem:$0x1F1C0] =	vst v63  }
0x56: {  	_ =	swait.ge [sflag:s29], $0x2000  }
0x57: {  	[sflag:s29] =	ssyncset.done $0x0  }
0x58: {  	s6 =	simm.s32 $0x2800;
	[sflag:s29] =	ssyncadd.s32 $0xFFFFE000  }
0x59: {  	[spmem:s3] =	stream.indirect.scatter.add.f32 [tilespmem:s26], [sflag:$0x3], $0x40, s6, s25, $0xb8;
	[tilespmem:$0x1F1C0] =	vst v63  }
0x5a: {  	_ =	swait.ge [sflag:s22], $0x2000  }
0x5b: {  	[sflag:s22] =	ssyncset.done $0x0  }
0x5c: {  	s9 =	simm.s32 $0x100;
	[sflag:s22] =	ssyncadd.s32 $0xFFFFE000  }
0x5d: {  	[tilespmem:s26], [sflag:$0x1] =	stream.indirect.gather [spmem:s2], $0x40, s9, s25, $0xb8;
	[tilespmem:$0x1F1C0] =	vst v63  }
0x5e: {  	_ =	swait.ge [sflag:s23], $0x2000  }
0x5f: {  	[sflag:s23] =	ssyncset.done $0x0  }
0x60: {  	s20 =	simm.s32 $0x2880;
	[sflag:s23] =	ssyncadd.s32 $0xFFFFE000  }
0x61: {  	[spmem:s3] =	stream.indirect.scatter.add.f32 [tilespmem:s28], [sflag:$0x3], $0x40, s20, s25, $0xb8;
	[tilespmem:$0x1F1C0] =	vst v63  }
0x62: {  	_ =	swait.ge [sflag:s22], $0x2000  }
0x63: {  	s5 =	simm.s32 $0x800;
	s9 =	simm.s32 $0x100;
	[sflag:s22] =	ssyncset.done $0x0  }
.LBB2_8:
0x64: {  	s6 =	sadd.s32 $0x80, s9  }
0x65: {  	[sflag:s22] =	ssyncadd.s32 $0xFFFFE000;
	s20 =	smov.u32 s5;
	s1 =	sadd.s32 $0x400, s5  }
0x66: {  	[tilespmem:s28], [sflag:$0x2] =	stream.indirect.gather [spmem:s2], $0x40, s6, s25, $0xb8;
	[tilespmem:$0x1F1C0] =	vst v63  }
0x67: {  	p3 =	sne.s32 s5, $0x9800;
	_ =	swait.ge [sflag:s29], $0x2000  }
0x68: {  	[sflag:s29] =	ssyncset.done $0x0  }
0x69: {  	s5 =	sadd.s32 $0x2800, s9;
	[sflag:s29] =	ssyncadd.s32 $0xFFFFE000  }
0x6a: {  	[spmem:s3] =	stream.indirect.scatter.add.f32 [tilespmem:s26], [sflag:$0x3], $0x40, s5, s25, $0xb8;
	[tilespmem:$0x1F1C0] =	vst v63  }
0x6b: {  	_ =	swait.ge [sflag:s22], $0x2000  }
0x6c: {  	[sflag:s22] =	ssyncset.done $0x0  }
0x6d: {  	s5 =	sadd.s32 $0x100, s9;
	[sflag:s22] =	ssyncadd.s32 $0xFFFFE000  }
0x6e: {  	[tilespmem:s26], [sflag:$0x1] =	stream.indirect.gather [spmem:s2], $0x40, s5, s25, $0xb8;
	[tilespmem:$0x1F1C0] =	vst v63  }
0x6f: {  	_ =	swait.ge [sflag:s23], $0x2000  }
.Ltmp5:
0x70: {  	[sflag:s23] =	ssyncset.done $0x0;
	(pc) =	sbr.rel @p3 .LBB2_8-.Ltmp5, $4  }
0x71: {  	s5 =	sadd.s32 $0x2880, s9;
	[sflag:s23] =	ssyncadd.s32 $0xFFFFE000  }
0x72: {  	[spmem:s3] =	stream.indirect.scatter.add.f32 [tilespmem:s28], [sflag:$0x3], $0x40, s5, s25, $0xb8;
	[tilespmem:$0x1F1C0] =	vst v63  }
0x73: {  	_ =	swait.ge [sflag:s22], $0x2000  }
0x74: {  	s9 =	sshra.s32 s20, $0x2;
	s5 =	smov.u32 s1;
	[sflag:s22] =	ssyncset.done $0x0  }
0x75: {  	s1 =	sadd.s32 $0x80, s9;
	[sflag:s22] =	ssyncadd.s32 $0xFFFFE000  }
0x76: {  	[tilespmem:s28], [sflag:$0x2] =	stream.indirect.gather [spmem:s2], $0x40, s1, s25, $0xb8;
	[tilespmem:$0x1F1C0] =	vst v63  }
0x77: {  	_ =	swait.ge [sflag:s29], $0x2000  }
0x78: {  	[sflag:s29] =	ssyncset.done $0x0  }
0x79: {  	s5 =	sadd.s32 $0x2800, s9;
	[sflag:s29] =	ssyncadd.s32 $0xFFFFE000  }
0x7a: {  	[spmem:s3] =	stream.indirect.scatter.add.f32 [tilespmem:s26], [sflag:$0x3], $0x40, s5, s25, $0xb8;
	[tilespmem:$0x1F1C0] =	vst v63  }
0x7b: {  	_ =	swait.ge [sflag:s22], $0x2000  }
0x7c: {  	[sflag:s22] =	ssyncset.done $0x0  }
0x7d: {  	s6 =	sadd.s32 $0x100, s9;
	[sflag:s22] =	ssyncadd.s32 $0xFFFFE000  }
0x7e: {  	[tilespmem:s26], [sflag:$0x1] =	stream.indirect.gather [spmem:s2], $0x40, s6, s25, $0xb8;
	[tilespmem:$0x1F1C0] =	vst v63  }
0x7f: {  	_ =	swait.ge [sflag:s23], $0x2000  }
0x80: {  	[sflag:s23] =	ssyncset.done $0x0  }
0x81: {  	s9 =	sadd.s32 $0x2880, s9;
	[sflag:s23] =	ssyncadd.s32 $0xFFFFE000  }
0x82: {  	[spmem:s3] =	stream.indirect.scatter.add.f32 [tilespmem:s28], [sflag:$0x3], $0x40, s9, s25, $0xb8;
	[tilespmem:$0x1F1C0] =	vst v63  }
0x83: {  	_ =	swait.ge [sflag:s22], $0x2000  }
0x84: {  	[sflag:s22] =	ssyncset.done $0x0  }
0x85: {  	[sflag:s22] =	ssyncadd.s32 $0xFFFFE000  }
0x86: {  	[tilespmem:s28], [sflag:$0x2] =	stream.indirect.gather [spmem:s2], $0x40, s30, s25, $0xb8;
	[tilespmem:$0x1F1C0] =	vst v63  }
0x87: {  	_ =	swait.ge [sflag:s29], $0x2000  }
0x88: {  	[sflag:s29] =	ssyncset.done $0x0  }
0x89: {  	[sflag:s29] =	ssyncadd.s32 $0xFFFFE000  }
0x8a: {  	[spmem:s3] =	stream.indirect.scatter.add.f32 [tilespmem:s26], [sflag:$0x3], $0x40, s31, s25, $0xb8;
	[tilespmem:$0x1F1C0] =	vst v63  }
0x8b: {  	_ =	swait.ge [sflag:s22], $0x2000  }
0x8c: {  	[sflag:s22] =	ssyncset.done $0x0  }
0x8d: {  	[sflag:s22] =	ssyncadd.s32 $0xFFFFE000  }
0x8e: {  	_ =	swait.ge [sflag:s23], $0x2000  }
0x8f: {  	[sflag:s23] =	ssyncset.done $0x0  }
0x90: {  	[sflag:s23] =	ssyncadd.s32 $0xFFFFE000  }
0x91: {  	[spmem:s3] =	stream.indirect.scatter.add.f32 [tilespmem:s28], [sflag:$0x3], $0x40, s0, s25, $0xb8;
	[tilespmem:$0x1F1C0] =	vst v63  }
0x92: {  	_ =	swait.ge [sflag:s22], $0x2000  }
0x93: {  	[sflag:s22] =	ssyncset.done $0x0  }
0x94: {  	s20 =	simm.s32 $0x0;
	[sflag:s22] =	ssyncadd.s32 $0xFFFFE000  }
0x95: {  	[tilespmem:s20], [sflag:$0x3] =	stream.linear.gather [hbm4b:s18+s20], $0x2800, $0x38;
	[tilespmem:$0x1F1C0] =	vst v63  }
0x96: {  	_ =	swait.ge [sflag:s22], $0x2800  }
0x97: {  	[sflag:s22] =	ssyncset.done $0x0  }
0x98: {  	[sflag:s22] =	ssyncadd.s32 $0xFFFFD800  }
0x99: {  	[tilespmem:s24], [sflag:$0x3] =	stream.linear.gather [hbm4b:s19+s20], $0x2800, $0x38;
	[tilespmem:$0x1F1C0] =	vst v63  }
0x9a: {  	_ =	swait.ge [sflag:s22], $0x2800  }
0x9b: {  	[sflag:s22] =	ssyncset.done $0x0  }
0x9c: {  	[sflag:s22] =	ssyncadd.s32 $0xFFFFD800  }
0x9d: {  	[tilespmem:s26], [sflag:$0x1] =	stream.indirect.gather [spmem:s2], $0x40, s20, s25, $0xb8;
	[tilespmem:$0x1F1C0] =	vst v63  }
0x9e: {  	s5 =	simm.s32 $0x80  }
0x9f: {  	[tilespmem:s28], [sflag:$0x2] =	stream.indirect.gather [spmem:s2], $0x40, s5, s25, $0xb8;
	[tilespmem:$0x1F1C0] =	vst v63  }
0xa0: {  	_ =	swait.ge [sflag:s29], $0x2000  }
0xa1: {  	[sflag:s29] =	ssyncset.done $0x0  }
0xa2: {  	s6 =	simm.s32 $0x2800;
	[sflag:s29] =	ssyncadd.s32 $0xFFFFE000  }
0xa3: {  	[spmem:s3] =	stream.indirect.scatter.add.f32 [tilespmem:s26], [sflag:$0x3], $0x40, s6, s25, $0xb8;
	[tilespmem:$0x1F1C0] =	vst v63  }
0xa4: {  	_ =	swait.ge [sflag:s22], $0x2000  }
0xa5: {  	[sflag:s22] =	ssyncset.done $0x0  }
0xa6: {  	s9 =	simm.s32 $0x100;
	[sflag:s22] =	ssyncadd.s32 $0xFFFFE000  }
0xa7: {  	[tilespmem:s26], [sflag:$0x1] =	stream.indirect.gather [spmem:s2], $0x40, s9, s25, $0xb8;
	[tilespmem:$0x1F1C0] =	vst v63  }
0xa8: {  	_ =	swait.ge [sflag:s23], $0x2000  }
0xa9: {  	[sflag:s23] =	ssyncset.done $0x0  }
0xaa: {  	s20 =	simm.s32 $0x2880;
	[sflag:s23] =	ssyncadd.s32 $0xFFFFE000  }
0xab: {  	[spmem:s3] =	stream.indirect.scatter.add.f32 [tilespmem:s28], [sflag:$0x3], $0x40, s20, s25, $0xb8;
	[tilespmem:$0x1F1C0] =	vst v63  }
0xac: {  	_ =	swait.ge [sflag:s22], $0x2000  }
0xad: {  	s5 =	simm.s32 $0x800;
	s9 =	simm.s32 $0x100;
	[sflag:s22] =	ssyncset.done $0x0  }
.LBB2_10:
0xae: {  	s1 =	sadd.s32 $0x80, s9  }
0xaf: {  	[sflag:s22] =	ssyncadd.s32 $0xFFFFE000;
	s6 =	smov.u32 s5;
	s20 =	sadd.s32 $0x400, s5  }
0xb0: {  	[tilespmem:s28], [sflag:$0x2] =	stream.indirect.gather [spmem:s2], $0x40, s1, s25, $0xb8;
	[tilespmem:$0x1F1C0] =	vst v63  }
0xb1: {  	p3 =	sne.s32 s5, $0x9800;
	_ =	swait.ge [sflag:s29], $0x2000  }
0xb2: {  	[sflag:s29] =	ssyncset.done $0x0  }
0xb3: {  	s1 =	sadd.s32 $0x2800, s9;
	[sflag:s29] =	ssyncadd.s32 $0xFFFFE000  }
0xb4: {  	[spmem:s3] =	stream.indirect.scatter.add.f32 [tilespmem:s26], [sflag:$0x3], $0x40, s1, s25, $0xb8;
	[tilespmem:$0x1F1C0] =	vst v63  }
0xb5: {  	_ =	swait.ge [sflag:s22], $0x2000  }
0xb6: {  	[sflag:s22] =	ssyncset.done $0x0  }
0xb7: {  	s1 =	sadd.s32 $0x100, s9;
	[sflag:s22] =	ssyncadd.s32 $0xFFFFE000  }
0xb8: {  	[tilespmem:s26], [sflag:$0x1] =	stream.indirect.gather [spmem:s2], $0x40, s1, s25, $0xb8;
	[tilespmem:$0x1F1C0] =	vst v63  }
0xb9: {  	_ =	swait.ge [sflag:s23], $0x2000  }
.Ltmp6:
0xba: {  	[sflag:s23] =	ssyncset.done $0x0;
	(pc) =	sbr.rel @p3 .LBB2_10-.Ltmp6, $4  }
0xbb: {  	s1 =	sadd.s32 $0x2880, s9;
	[sflag:s23] =	ssyncadd.s32 $0xFFFFE000  }
0xbc: {  	[spmem:s3] =	stream.indirect.scatter.add.f32 [tilespmem:s28], [sflag:$0x3], $0x40, s1, s25, $0xb8;
	[tilespmem:$0x1F1C0] =	vst v63  }
0xbd: {  	_ =	swait.ge [sflag:s22], $0x2000  }
0xbe: {  	s5 =	smov.u32 s20;
	s9 =	sshra.s32 s6, $0x2;
	[sflag:s22] =	ssyncset.done $0x0  }
0xbf: {  	s1 =	sadd.s32 $0x80, s9;
	[sflag:s22] =	ssyncadd.s32 $0xFFFFE000  }
0xc0: {  	[tilespmem:s28], [sflag:$0x2] =	stream.indirect.gather [spmem:s2], $0x40, s1, s25, $0xb8;
	[tilespmem:$0x1F1C0] =	vst v63  }
0xc1: {  	_ =	swait.ge [sflag:s29], $0x2000  }
0xc2: {  	[sflag:s29] =	ssyncset.done $0x0  }
0xc3: {  	s5 =	sadd.s32 $0x2800, s9;
	[sflag:s29] =	ssyncadd.s32 $0xFFFFE000  }
0xc4: {  	[spmem:s3] =	stream.indirect.scatter.add.f32 [tilespmem:s26], [sflag:$0x3], $0x40, s5, s25, $0xb8;
	[tilespmem:$0x1F1C0] =	vst v63  }
0xc5: {  	_ =	swait.ge [sflag:s22], $0x2000  }
0xc6: {  	[sflag:s22] =	ssyncset.done $0x0  }
0xc7: {  	s6 =	sadd.s32 $0x100, s9;
	[sflag:s22] =	ssyncadd.s32 $0xFFFFE000  }
0xc8: {  	[tilespmem:s26], [sflag:$0x1] =	stream.indirect.gather [spmem:s2], $0x40, s6, s25, $0xb8;
	[tilespmem:$0x1F1C0] =	vst v63  }
0xc9: {  	_ =	swait.ge [sflag:s23], $0x2000  }
0xca: {  	[sflag:s23] =	ssyncset.done $0x0  }
0xcb: {  	s9 =	sadd.s32 $0x2880, s9;
	[sflag:s23] =	ssyncadd.s32 $0xFFFFE000  }
0xcc: {  	[spmem:s3] =	stream.indirect.scatter.add.f32 [tilespmem:s28], [sflag:$0x3], $0x40, s9, s25, $0xb8;
	[tilespmem:$0x1F1C0] =	vst v63  }
0xcd: {  	_ =	swait.ge [sflag:s22], $0x2000  }
0xce: {  	[sflag:s22] =	ssyncset.done $0x0  }
0xcf: {  	[sflag:s22] =	ssyncadd.s32 $0xFFFFE000  }
0xd0: {  	[tilespmem:s28], [sflag:$0x2] =	stream.indirect.gather [spmem:s2], $0x40, s30, s25, $0xb8;
	[tilespmem:$0x1F1C0] =	vst v63  }
0xd1: {  	_ =	swait.ge [sflag:s29], $0x2000  }
0xd2: {  	[sflag:s29] =	ssyncset.done $0x0  }
0xd3: {  	[sflag:s29] =	ssyncadd.s32 $0xFFFFE000  }
0xd4: {  	[spmem:s3] =	stream.indirect.scatter.add.f32 [tilespmem:s26], [sflag:$0x3], $0x40, s31, s25, $0xb8;
	[tilespmem:$0x1F1C0] =	vst v63  }
0xd5: {  	_ =	swait.ge [sflag:s22], $0x2000  }
0xd6: {  	[sflag:s22] =	ssyncset.done $0x0  }
0xd7: {  	[sflag:s22] =	ssyncadd.s32 $0xFFFFE000  }
0xd8: {  	_ =	swait.ge [sflag:s23], $0x2000  }
0xd9: {  	[sflag:s23] =	ssyncset.done $0x0  }
0xda: {  	[sflag:s23] =	ssyncadd.s32 $0xFFFFE000  }
0xdb: {  	[spmem:s3] =	stream.indirect.scatter.add.f32 [tilespmem:s28], [sflag:$0x3], $0x40, s0, s25, $0xb8;
	[tilespmem:$0x1F1C0] =	vst v63  }
0xdc: {  	_ =	swait.ge [sflag:s22], $0x2000  }
0xdd: {  	s4 =	sadd.s32 $0x1, s4;
	[sflag:s22] =	ssyncset.done $0x0  }
0xde: {  	s20 =	sor.u32 $0x1C03, s8;
	p3 =	sne.s32 s4, s15;
	[sflag:s22] =	ssyncadd.s32 $0xFFFFE000  }
.Ltmp7:
0xdf: {  	s5 =	sshrl.u32 s10, $0x3;
	[bflag:$0x0] =	sbarrier.arrive $0xFFFF;
	(pc) =	sbr.rel @p3 .LBB2_1-.Ltmp7, $4  }
0xe0: {  	[hbm:s14], [sflag:s20] =	dma.local [spmem:s5], $0x13C0  }
0xe1: {  	_ =	swait.ge [sflag:s22], $0x13C0  }
0xe2: {  	[sflag:s22] =	ssyncset.done $0x0  }
0xe3: {  	[sflag:s22] =	ssyncadd.s32 $0xFFFFEC40  }
0xe4: {  	_ =	sfence.sel $0x180000  }
0xe5: {  	[bflag:$0x0] =	sbarrier.arrive $0xFFFF  }
0xe6: {  	_ =	strace $0x9000004A  }
0xe7: {  	s0 =	stileid.u32;
	[bflag:$0x2] =	sbarrier.arrive $0xFFFF  }
0xe8: {  	p0 =	sne.s32 s0, $0x0;
	s0 =	rddreg [dreg:$0x3]  }
0xe9: {  	s0 =	sadd.s32 @!p0 $0x100000, s0  }
0xea: {  	[sflag:s0] =	ssyncadd.tile.s32 @!p0 $0x1;
	_ =	shalt  }
.Lfunc_end2:
_tile_overlayer_lowered:
.L_overlay_start_2:
0xeb: {  	(tag) =	ssettag $0x2  }
0xec: {  	s0 =	rddreg [dreg:$0x0];
	s2 =	stileid.u32  }
0xed: {  	s1 =	rddreg [dreg:$0x1];
	p0 =	sne.s32 s2, $0x0  }
0xee: {  	s3 =	rddreg [dreg:$0x2];
	[bflag:$0x3] =	sbarrier.arrive $0xFFFF;
	s2 =	simm.s32 @!p0 $0x1C03  }
0xef: {  	[timem:s3], [sflag:s2] =	dma.local @!p0 [hbm:s0], s1  }
0xf0: {  	s0 =	simm.s32 @!p0 $0x3  }
0xf1: {  	_ =	swait.ge @!p0 [sflag:s0], s1  }
0xf2: {  	s1 =	ssub.s32 @!p0 $0x0, s1;
	[sflag:s0] =	ssyncset.done @!p0 $0x0  }
0xf3: {  	[sflag:s0] =	ssyncadd.s32 @!p0 s1  }
0xf4: {  	[bflag:$0x3] =	sbarrier.arrive $0xFFFF  }
0xf5: {  	_ =	shalt  }

</sc_bundles>
